<compile_context>
chip_gen: v7x
topology: tpu7x:2x2x1
jax: 0.10.2.dev20260603
libtpu: 0.0.44.dev20260713+nightly
codegen_flags: <defaults>
</compile_context>

<pallas_src>
import functools

import jax
import jax.numpy as jnp
from jax import lax
from jax.experimental import pallas as pl
from jax.experimental.pallas import tpu as pltpu
from jax.experimental.pallas import tpu_sc as plsc

_NBINS = 2048
_ZERO_POINT = 0.0004
_L = 16
_UNROLL = 8


@functools.cache
def _make_sc_kernel(rows: int, cols: int):
    assert cols == _NBINS
    info = plsc.get_sparse_core_info()
    nc, ns = info.num_cores, info.num_subcores
    nw = nc * ns
    assert rows % nw == 0
    rows_per_w = rows // nw
    assert rows_per_w % 2 == 0

    mesh = plsc.VectorSubcoreMesh(core_axis_name="c", subcore_axis_name="s")

    @functools.partial(
        pl.kernel,
        out_type=jax.ShapeDtypeStruct((rows, cols), jnp.float32),
        mesh=mesh,
        compiler_params=pltpu.CompilerParams(needs_layout_passes=False),
        scratch_types=[
            pltpu.VMEM((cols,), jnp.float32),
            pltpu.VMEM((cols,), jnp.float32),
            pltpu.VMEM((cols,), jnp.float32),
            pltpu.VMEM((cols,), jnp.float32),
            pltpu.VMEM((cols,), jnp.float32),
            pltpu.VMEM((cols,), jnp.float32),
            pltpu.VMEM((cols,), jnp.float32),
            pltpu.VMEM((cols,), jnp.float32),
            pltpu.VMEM((cols,), jnp.float32),
            pltpu.VMEM((cols,), jnp.float32),
            pltpu.VMEM((_L,), jnp.float32),
            pltpu.SemaphoreType.DMA,
            pltpu.SemaphoreType.DMA,
            pltpu.SemaphoreType.DMA,
            pltpu.SemaphoreType.DMA,
            pltpu.SemaphoreType.DMA,
            pltpu.SemaphoreType.DMA,
        ],
    )
    def sc_kernel(mu_h, scale_h, eps_h, x_h, out_h,
                  mu_v, scale_v, eps_b0, eps_b1, x_b0, x_b1, zs_v, cnt_v,
                  out_b0, out_b1, rsum_v, se0, se1, sx0, sx1, so0, so1):
        wid = lax.axis_index("s") * nc + lax.axis_index("c")
        row0 = wid * rows_per_w
        eps_bufs = (eps_b0, eps_b1)
        x_bufs = (x_b0, x_b1)
        out_bufs = (out_b0, out_b1)
        se = (se0, se1)
        sx = (sx0, sx1)
        so = (so0, so1)
        pltpu.sync_copy(mu_h, mu_v)
        pltpu.sync_copy(scale_h, scale_v)

        zeros = jnp.zeros((_L,), jnp.float32)
        ones = jnp.ones((_L,), jnp.float32)

        @plsc.parallel_loop(0, cols, _L, unroll=_UNROLL)
        def _(i):
            cnt_v[pl.ds(i, _L)] = zeros

        pltpu.async_copy(eps_h.at[row0], eps_bufs[0], se[0])
        pltpu.async_copy(x_h.at[row0], x_bufs[0], sx[0])

        def do_row(r, b):
            row = row0 + r
            eps_v = eps_bufs[b]
            x_v = x_bufs[b]
            out_v = out_bufs[b]

            @pl.when(r + 1 < rows_per_w)
            def _():
                pltpu.async_copy(eps_h.at[row + 1], eps_bufs[1 - b],
                                 se[1 - b])
                pltpu.async_copy(x_h.at[row + 1], x_bufs[1 - b],
                                 sx[1 - b])

            pltpu.make_async_copy(eps_h.at[row], eps_v, se[b]).wait()
            pltpu.make_async_copy(x_h.at[row], x_v, sx[b]).wait()

            @plsc.parallel_loop(
                0, cols, _L, unroll=_UNROLL,
                carry=(jnp.full((_L,), jnp.inf, jnp.float32),
                       jnp.full((_L,), -jnp.inf, jnp.float32)))
            def minmax(i, carry):
                mn, mx = carry
                sl = pl.ds(i, _L)
                p = mu_v[sl] + scale_v[sl] * eps_v[sl]
                zs_v[sl] = p
                return jnp.minimum(mn, p), jnp.maximum(mx, p)

            mn16, mx16 = minmax
            vmin16 = jnp.full((_L,), jnp.min(mn16), jnp.float32)
            vmax16 = jnp.full((_L,), jnp.max(mx16), jnp.float32)
            width16 = (vmax16 - vmin16) * jnp.float32(1.0 / _NBINS)
            safe16 = jnp.where(width16 == 0.0, jnp.float32(1.0), width16)

            @plsc.parallel_loop(0, cols, _L, unroll=16)
            def _(i):
                sl = pl.ds(i, _L)
                q = (zs_v[sl] - vmin16) / safe16
                idx = jnp.clip(q.astype(jnp.int32), 0, _NBINS - 1)
                plsc.addupdate_scatter(cnt_v, [idx], ones)

            g16 = jnp.full((_L,), jnp.float32(32.0))

            @plsc.parallel_loop(0, cols, _L, unroll=_UNROLL, carry=zeros)
            def ssum(i, acc):
                sl = pl.ds(i, _L)
                u = jnp.exp(cnt_v[sl] - g16)
                zs_v[sl] = u
                return acc + u

            s16 = jnp.full((_L,), jnp.sum(ssum), jnp.float32)
            rsum_v[...] = ones / s16

            @pl.when(jnp.any(s16 >= jnp.float32(3.0e38)))
            def _():
                @plsc.parallel_loop(0, cols, _L, unroll=_UNROLL,
                                    carry=zeros)
                def cmax(i, mx):
                    return jnp.maximum(mx, cnt_v[pl.ds(i, _L)])

                cm16 = jnp.full((_L,), jnp.max(cmax), jnp.float32)

                @plsc.parallel_loop(0, cols, _L, unroll=_UNROLL,
                                    carry=zeros)
                def ssum2(i, acc):
                    sl = pl.ds(i, _L)
                    u = jnp.exp(cnt_v[sl] - cm16)
                    zs_v[sl] = u
                    return acc + u

                rsum_v[...] = ones / jnp.full((_L,), jnp.sum(ssum2),
                                              jnp.float32)

            r16 = rsum_v[...]

            @pl.when(r >= 2)
            def _():
                pltpu.make_async_copy(out_v, out_h.at[row - 2], so[b]).wait()

            @plsc.parallel_loop(0, cols, _L, unroll=_UNROLL)
            def _(i):
                sl = pl.ds(i, _L)
                probs = zs_v[sl] * r16
                probs = jnp.where(probs < _ZERO_POINT,
                                  jnp.float32(0.0), probs)
                out_v[sl] = x_v[sl] * probs
                cnt_v[sl] = zeros

            pltpu.async_copy(out_v, out_h.at[row], so[b])

        def pair_body(rb, _):
            do_row(rb * 2, 0)
            do_row(rb * 2 + 1, 1)
            return 0

        lax.fori_loop(0, rows_per_w // 2, pair_body, 0)

        last = row0 + rows_per_w - 2
        pltpu.make_async_copy(out_bufs[0], out_h.at[last], so[0]).wait()
        pltpu.make_async_copy(out_bufs[1], out_h.at[last + 1], so[1]).wait()

    return sc_kernel


def kernel(z, x, epsilon):
    mu = jnp.mean(z, axis=0)
    var = jnp.var(z, axis=0)
    scale = jnp.exp(0.5 * var)
    rows, cols = epsilon.shape
    return _make_sc_kernel(rows, cols)(mu, scale, epsilon, x)

# --- scband reference (transcript-rebuilt; emitter-appended) ---
"""Pipeline reference for scband-probability-dropout-2293512536898 (READ-ONLY COPY).

The authoritative reference and input builder live on the scoring server;
editing this copy changes nothing except your own understanding.
"""

import jax, jax.numpy as jnp
import numpy as np

NBINS = 2048
ZERO_POINT = 0.0004


def setup_inputs(seed: int = 0) -> dict:
    key = jax.random.key(seed)
    k1, k2, k3 = jax.random.split(key, 3)
    z = jax.random.normal(k1, (16384, 2048), dtype=jnp.float32)
    x = jax.random.normal(k2, (16384, 2048), dtype=jnp.float32)
    # epsilon replaces the internal tf.random.normal(shape=tf.shape(x)) draw so the
    # computation is deterministic and reproducible.
    epsilon = jax.random.normal(k3, (16384, 2048), dtype=jnp.float32)
    return {"z": z, "x": x, "epsilon": epsilon}


def _hist_row(p):
    # tf.histogram_fixed_width(p, [min(p), max(p)], nbins=NBINS) semantics:
    # uniform bins over [vmin, vmax], values clipped into [0, NBINS-1].
    vmin = jnp.min(p)
    vmax = jnp.max(p)
    width = (vmax - vmin) / NBINS
    safe_width = jnp.where(width == 0, 1.0, width)
    idx = jnp.floor((p - vmin) / safe_width).astype(jnp.int32)
    idx = jnp.clip(idx, 0, NBINS - 1)
    counts = jnp.zeros((NBINS,), dtype=jnp.float32).at[idx].add(1.0)
    return jax.nn.softmax(counts)


def reference(z, x, epsilon):
    # training branch of ProbabilityDropout.call
    mu = jnp.mean(z, axis=0, keepdims=True)
    var = jnp.var(z, axis=0, keepdims=True)
    z_s = mu + jnp.exp(0.5 * var) * epsilon  # reparameterized sample, shape like x
    probs = jax.vmap(_hist_row)(z_s)  # tf.map_fn(dropprob, z)
    probs = jnp.where(probs < ZERO_POINT, jnp.zeros_like(probs), probs)
    return x * probs

if __name__ == "__main__":
    import jax
    _d = setup_inputs()
    print(jax.jit(kernel)(*tuple(_d.values())))

</pallas_src>

<mosaic_0001>
#map = affine_map<(d0, d1) -> (0)>
#map1 = affine_map<(d0, d1) -> (0, 0)>
module attributes {stable_mosaic.version = 14 : i64} {
  func.func @sc_kernel(%arg0: i32, %arg1: i32, %arg2: memref<2048xf32, #tpu.memory_space<hbm>>, %arg3: memref<2048xf32, #tpu.memory_space<hbm>>, %arg4: memref<16384x2048xf32, #tpu.memory_space<hbm>>, %arg5: memref<16384x2048xf32, #tpu.memory_space<hbm>>, %arg6: memref<16384x2048xf32, #tpu.memory_space<hbm>>, %arg7: memref<2048xf32, #tpu.memory_space<vmem>>, %arg8: memref<2048xf32, #tpu.memory_space<vmem>>, %arg9: memref<2048xf32, #tpu.memory_space<vmem>>, %arg10: memref<2048xf32, #tpu.memory_space<vmem>>, %arg11: memref<2048xf32, #tpu.memory_space<vmem>>, %arg12: memref<2048xf32, #tpu.memory_space<vmem>>, %arg13: memref<2048xf32, #tpu.memory_space<vmem>>, %arg14: memref<2048xf32, #tpu.memory_space<vmem>>, %arg15: memref<2048xf32, #tpu.memory_space<vmem>>, %arg16: memref<2048xf32, #tpu.memory_space<vmem>>, %arg17: memref<16xf32, #tpu.memory_space<vmem>>, %arg18: memref<!tpu.dma_semaphore, #tpu.memory_space<semaphore_mem>>, %arg19: memref<!tpu.dma_semaphore, #tpu.memory_space<semaphore_mem>>, %arg20: memref<!tpu.dma_semaphore, #tpu.memory_space<semaphore_mem>>, %arg21: memref<!tpu.dma_semaphore, #tpu.memory_space<semaphore_mem>>, %arg22: memref<!tpu.dma_semaphore, #tpu.memory_space<semaphore_mem>>, %arg23: memref<!tpu.dma_semaphore, #tpu.memory_space<semaphore_mem>>) attributes {dimension_semantics = [#tpu.dimension_semantics<core_parallel>, #tpu.dimension_semantics<subcore_parallel>], iteration_bounds = array<i64: 2, 16>, scalar_prefetch = 0 : i64, scratch_operands = 17 : i64, tpu.core_type = #tpu.core_type<sc_vector_subcore>, window_params = [{transform_indices = #map}, {transform_indices = #map}, {transform_indices = #map1}, {transform_indices = #map1}, {transform_indices = #map1}]} {
    %mul3A = arith.constant 2 : i32
    %mul3A_0 = arith.muli %arg1, %mul3A : i32
    %add3A = arith.addi %mul3A_0, %arg0 : i32
    %mul3A_1 = arith.constant 512 : i32
    %mul3A_2 = arith.muli %add3A, %mul3A_1 : i32
    "tpu.region"() ({
      %run_scoped3A = tpu.sem_alloc : memref<!tpu.dma_semaphore, #tpu.memory_space<semaphore_mem>>
      tpu.enqueue_dma source(%arg2 : memref<2048xf32, #tpu.memory_space<hbm>>) target(%arg7 : memref<2048xf32, #tpu.memory_space<vmem>>) target_semaphore(%run_scoped3A : memref<!tpu.dma_semaphore, #tpu.memory_space<semaphore_mem>>)
      tpu.wait_dma2 semaphore(%run_scoped3A : memref<!tpu.dma_semaphore, #tpu.memory_space<semaphore_mem>>) src(%arg2 : memref<2048xf32, #tpu.memory_space<hbm>>) dst(%arg7 : memref<2048xf32, #tpu.memory_space<vmem>>)
      tpu.yield
    }) : () -> ()
    "tpu.region"() ({
      %run_scoped3A = tpu.sem_alloc : memref<!tpu.dma_semaphore, #tpu.memory_space<semaphore_mem>>
      tpu.enqueue_dma source(%arg3 : memref<2048xf32, #tpu.memory_space<hbm>>) target(%arg8 : memref<2048xf32, #tpu.memory_space<vmem>>) target_semaphore(%run_scoped3A : memref<!tpu.dma_semaphore, #tpu.memory_space<semaphore_mem>>)
      tpu.wait_dma2 semaphore(%run_scoped3A : memref<!tpu.dma_semaphore, #tpu.memory_space<semaphore_mem>>) src(%arg3 : memref<2048xf32, #tpu.memory_space<hbm>>) dst(%arg8 : memref<2048xf32, #tpu.memory_space<vmem>>)
      tpu.yield
    }) : () -> ()
    %broadcast_in_dim3A = arith.constant 0.000000e+00 : f32
    %broadcast_in_dim3A_3 = vector.broadcast %broadcast_in_dim3A : f32 to vector<16xf32>
    %broadcast_in_dim3A_4 = arith.constant 1.000000e+00 : f32
    %broadcast_in_dim3A_5 = vector.broadcast %broadcast_in_dim3A_4 : f32 to vector<16xf32>
    %parallel_loop3A = arith.constant 0 : i32
    %parallel_loop3A_6 = arith.constant 2048 : i32
    %parallel_loop3A_7 = arith.constant 16 : i32
    scf.for %parallel_loop3A_41 = %parallel_loop3A to %parallel_loop3A_6 step %parallel_loop3A_7  : i32 {
      %parallel_loop3A_42 = arith.index_cast %parallel_loop3A_41 : i32 to index
      %parallel_loop3A_43 = tpu.vector_load %arg14[%parallel_loop3A_42] {strides = array<i32>} : memref<2048xf32, #tpu.memory_space<vmem>>, vector<16xf32>,
      tpu.vector_store %arg14[%parallel_loop3A_42], %broadcast_in_dim3A_3 {strides = array<i32>} : memref<2048xf32, #tpu.memory_space<vmem>>, vector<16xf32>,
    } {sc.loop_unroll_factor = 8 : i64, sc.parallel_access}
    %dma_start3A = arith.constant 0 : i32
    %dma_start3A_8 = tpu.memref_slice %arg4[%mul3A_2, %dma_start3A] : memref<16384x2048xf32, #tpu.memory_space<hbm>> -> memref<1x2048xf32, #tpu.memory_space<hbm>>
    %dma_start3A_9 = tpu.memref_squeeze %dma_start3A_8 : memref<1x2048xf32, #tpu.memory_space<hbm>> -> memref<2048xf32, #tpu.memory_space<hbm>>
    %dma_start3A_10 = arith.constant 0 : i32
    %dma_start3A_11 = tpu.memref_slice %arg4[%mul3A_2, %dma_start3A_10] : memref<16384x2048xf32, #tpu.memory_space<hbm>> -> memref<1x2048xf32, #tpu.memory_space<hbm>>
    %dma_start3A_12 = tpu.memref_squeeze %dma_start3A_11 : memref<1x2048xf32, #tpu.memory_space<hbm>> -> memref<2048xf32, #tpu.memory_space<hbm>>
    tpu.enqueue_dma source(%dma_start3A_12 : memref<2048xf32, #tpu.memory_space<hbm>>) target(%arg9 : memref<2048xf32, #tpu.memory_space<vmem>>) target_semaphore(%arg18 : memref<!tpu.dma_semaphore, #tpu.memory_space<semaphore_mem>>)
    %dma_start3A_13 = arith.constant 0 : i32
    %dma_start3A_14 = tpu.memref_slice %arg5[%mul3A_2, %dma_start3A_13] : memref<16384x2048xf32, #tpu.memory_space<hbm>> -> memref<1x2048xf32, #tpu.memory_space<hbm>>
    %dma_start3A_15 = tpu.memref_squeeze %dma_start3A_14 : memref<1x2048xf32, #tpu.memory_space<hbm>> -> memref<2048xf32, #tpu.memory_space<hbm>>
    %dma_start3A_16 = arith.constant 0 : i32
    %dma_start3A_17 = tpu.memref_slice %arg5[%mul3A_2, %dma_start3A_16] : memref<16384x2048xf32, #tpu.memory_space<hbm>> -> memref<1x2048xf32, #tpu.memory_space<hbm>>
    %dma_start3A_18 = tpu.memref_squeeze %dma_start3A_17 : memref<1x2048xf32, #tpu.memory_space<hbm>> -> memref<2048xf32, #tpu.memory_space<hbm>>
    tpu.enqueue_dma source(%dma_start3A_18 : memref<2048xf32, #tpu.memory_space<hbm>>) target(%arg11 : memref<2048xf32, #tpu.memory_space<vmem>>) target_semaphore(%arg20 : memref<!tpu.dma_semaphore, #tpu.memory_space<semaphore_mem>>)
    %scan3A = arith.constant 0 : i32
    %scan3A_19 = arith.constant 0 : i32
    %scan3A_20 = arith.constant 256 : i32
    %scan3A_21 = arith.addi %scan3A_19, %scan3A_20 : i32
    %scan3A_22 = arith.constant 1 : i32
    %scan3A_23 = scf.for %scan3A_41 = %scan3A_19 to %scan3A_21 step %scan3A_22 iter_args(%scan3A_42 = %scan3A) -> (i32)  : i32 {
      %mul3A_43 = arith.constant 2 : i32
      %mul3A_44 = arith.muli %scan3A_41, %mul3A_43 : i32
      %add3A_45 = arith.addi %mul3A_2, %mul3A_44 : i32
      %add3A_46 = arith.constant 1 : i32
      %add3A_47 = arith.addi %mul3A_44, %add3A_46 : i32
      %lt3A = arith.constant 512 : i32
      %lt3A_48 = arith.cmpi slt, %add3A_47, %lt3A : i32
      %convert_element_type3A = arith.extui %lt3A_48 : i1 to i32
      %cond3A = arith.constant 0 : i32
      %cond3A_49 = arith.cmpi ne, %convert_element_type3A, %cond3A : i32
      scf.if %cond3A_49 {
        %add3A_232 = arith.constant 1 : i32
        %add3A_233 = arith.addi %add3A_45, %add3A_232 : i32
        %dma_start3A_234 = arith.constant 0 : i32
        %dma_start3A_235 = tpu.memref_slice %arg4[%add3A_233, %dma_start3A_234] : memref<16384x2048xf32, #tpu.memory_space<hbm>> -> memref<1x2048xf32, #tpu.memory_space<hbm>>
        %dma_start3A_236 = tpu.memref_squeeze %dma_start3A_235 : memref<1x2048xf32, #tpu.memory_space<hbm>> -> memref<2048xf32, #tpu.memory_space<hbm>>
        %dma_start3A_237 = arith.constant 0 : i32
        %dma_start3A_238 = tpu.memref_slice %arg4[%add3A_233, %dma_start3A_237] : memref<16384x2048xf32, #tpu.memory_space<hbm>> -> memref<1x2048xf32, #tpu.memory_space<hbm>>
        %dma_start3A_239 = tpu.memref_squeeze %dma_start3A_238 : memref<1x2048xf32, #tpu.memory_space<hbm>> -> memref<2048xf32, #tpu.memory_space<hbm>>
        tpu.enqueue_dma source(%dma_start3A_239 : memref<2048xf32, #tpu.memory_space<hbm>>) target(%arg10 : memref<2048xf32, #tpu.memory_space<vmem>>) target_semaphore(%arg19 : memref<!tpu.dma_semaphore, #tpu.memory_space<semaphore_mem>>)
        %add3A_240 = arith.constant 1 : i32
        %add3A_241 = arith.addi %add3A_45, %add3A_240 : i32
        %dma_start3A_242 = arith.constant 0 : i32
        %dma_start3A_243 = tpu.memref_slice %arg5[%add3A_241, %dma_start3A_242] : memref<16384x2048xf32, #tpu.memory_space<hbm>> -> memref<1x2048xf32, #tpu.memory_space<hbm>>
        %dma_start3A_244 = tpu.memref_squeeze %dma_start3A_243 : memref<1x2048xf32, #tpu.memory_space<hbm>> -> memref<2048xf32, #tpu.memory_space<hbm>>
        %dma_start3A_245 = arith.constant 0 : i32
        %dma_start3A_246 = tpu.memref_slice %arg5[%add3A_241, %dma_start3A_245] : memref<16384x2048xf32, #tpu.memory_space<hbm>> -> memref<1x2048xf32, #tpu.memory_space<hbm>>
        %dma_start3A_247 = tpu.memref_squeeze %dma_start3A_246 : memref<1x2048xf32, #tpu.memory_space<hbm>> -> memref<2048xf32, #tpu.memory_space<hbm>>
        tpu.enqueue_dma source(%dma_start3A_247 : memref<2048xf32, #tpu.memory_space<hbm>>) target(%arg12 : memref<2048xf32, #tpu.memory_space<vmem>>) target_semaphore(%arg21 : memref<!tpu.dma_semaphore, #tpu.memory_space<semaphore_mem>>)
      } else {
      }
      %dma_wait3A_50 = arith.constant 0 : i32
      %dma_wait3A_51 = tpu.memref_slice %arg4[%add3A_45, %dma_wait3A_50] : memref<16384x2048xf32, #tpu.memory_space<hbm>> -> memref<1x2048xf32, #tpu.memory_space<hbm>>
      %dma_wait3A_52 = tpu.memref_squeeze %dma_wait3A_51 : memref<1x2048xf32, #tpu.memory_space<hbm>> -> memref<2048xf32, #tpu.memory_space<hbm>>
      %dma_wait3A_53 = arith.constant 0 : i32
      %dma_wait3A_54 = tpu.memref_slice %arg4[%add3A_45, %dma_wait3A_53] : memref<16384x2048xf32, #tpu.memory_space<hbm>> -> memref<1x2048xf32, #tpu.memory_space<hbm>>
      %dma_wait3A_55 = tpu.memref_squeeze %dma_wait3A_54 : memref<1x2048xf32, #tpu.memory_space<hbm>> -> memref<2048xf32, #tpu.memory_space<hbm>>
      tpu.wait_dma2 semaphore(%arg18 : memref<!tpu.dma_semaphore, #tpu.memory_space<semaphore_mem>>) src(%dma_wait3A_55 : memref<2048xf32, #tpu.memory_space<hbm>>) dst(%arg9 : memref<2048xf32, #tpu.memory_space<vmem>>)
      %dma_wait3A_56 = arith.constant 0 : i32
      %dma_wait3A_57 = tpu.memref_slice %arg5[%add3A_45, %dma_wait3A_56] : memref<16384x2048xf32, #tpu.memory_space<hbm>> -> memref<1x2048xf32, #tpu.memory_space<hbm>>
      %dma_wait3A_58 = tpu.memref_squeeze %dma_wait3A_57 : memref<1x2048xf32, #tpu.memory_space<hbm>> -> memref<2048xf32, #tpu.memory_space<hbm>>
      %dma_wait3A_59 = arith.constant 0 : i32
      %dma_wait3A_60 = tpu.memref_slice %arg5[%add3A_45, %dma_wait3A_59] : memref<16384x2048xf32, #tpu.memory_space<hbm>> -> memref<1x2048xf32, #tpu.memory_space<hbm>>
      %dma_wait3A_61 = tpu.memref_squeeze %dma_wait3A_60 : memref<1x2048xf32, #tpu.memory_space<hbm>> -> memref<2048xf32, #tpu.memory_space<hbm>>
      tpu.wait_dma2 semaphore(%arg20 : memref<!tpu.dma_semaphore, #tpu.memory_space<semaphore_mem>>) src(%dma_wait3A_61 : memref<2048xf32, #tpu.memory_space<hbm>>) dst(%arg11 : memref<2048xf32, #tpu.memory_space<vmem>>)
      %broadcast_in_dim3A_62 = arith.constant 0x7F800000 : f32
      %broadcast_in_dim3A_63 = vector.broadcast %broadcast_in_dim3A_62 : f32 to vector<16xf32>
      %broadcast_in_dim3A_64 = arith.constant 0xFF800000 : f32
      %broadcast_in_dim3A_65 = vector.broadcast %broadcast_in_dim3A_64 : f32 to vector<16xf32>
      %parallel_loop3A_66 = arith.constant 0 : i32
      %parallel_loop3A_67 = arith.constant 2048 : i32
      %parallel_loop3A_68 = arith.constant 16 : i32
      %parallel_loop3A_69:2 = scf.for %parallel_loop3A_232 = %parallel_loop3A_66 to %parallel_loop3A_67 step %parallel_loop3A_68 iter_args(%parallel_loop3A_233 = %broadcast_in_dim3A_63, %parallel_loop3A_234 = %broadcast_in_dim3A_65) -> (vector<16xf32>, vector<16xf32>)  : i32 {
        %parallel_loop3A_235 = arith.index_cast %parallel_loop3A_232 : i32 to index
        %parallel_loop3A_236 = tpu.vector_load %arg7[%parallel_loop3A_235] {strides = array<i32>} : memref<2048xf32, #tpu.memory_space<vmem>>, vector<16xf32>,
        %parallel_loop3A_237 = arith.index_cast %parallel_loop3A_232 : i32 to index
        %parallel_loop3A_238 = tpu.vector_load %arg8[%parallel_loop3A_237] {strides = array<i32>} : memref<2048xf32, #tpu.memory_space<vmem>>, vector<16xf32>,
        %parallel_loop3A_239 = arith.index_cast %parallel_loop3A_232 : i32 to index
        %parallel_loop3A_240 = tpu.vector_load %arg9[%parallel_loop3A_239] {strides = array<i32>} : memref<2048xf32, #tpu.memory_space<vmem>>, vector<16xf32>,
        %parallel_loop3A_241 = arith.mulf %parallel_loop3A_238, %parallel_loop3A_240 : vector<16xf32>
        %parallel_loop3A_242 = arith.addf %parallel_loop3A_236, %parallel_loop3A_241 : vector<16xf32>
        %parallel_loop3A_243 = arith.index_cast %parallel_loop3A_232 : i32 to index
        %parallel_loop3A_244 = tpu.vector_load %arg13[%parallel_loop3A_243] {strides = array<i32>} : memref<2048xf32, #tpu.memory_space<vmem>>, vector<16xf32>,
        tpu.vector_store %arg13[%parallel_loop3A_243], %parallel_loop3A_242 {strides = array<i32>} : memref<2048xf32, #tpu.memory_space<vmem>>, vector<16xf32>,
        %parallel_loop3A_245 = arith.minimumf %parallel_loop3A_233, %parallel_loop3A_242 : vector<16xf32>
        %parallel_loop3A_246 = arith.maximumf %parallel_loop3A_234, %parallel_loop3A_242 : vector<16xf32>
        scf.yield %parallel_loop3A_245, %parallel_loop3A_246 : vector<16xf32>, vector<16xf32>
      } {sc.loop_unroll_factor = 8 : i64, sc.parallel_access}
      %reduce_min3A = arith.constant true
      %reduce_min3A_70 = vector.broadcast %reduce_min3A : i1 to vector<16xi1>
      %reduce_min3A_71 = tpu.scan <min>, %parallel_loop3A_69#0 masked %reduce_min3A_70 : vector<16xf32>, vector<16xi1> -> vector<16xf32>
      %reduce_min3A_72 = vector.extract %reduce_min3A_71[15] : f32 from vector<16xf32>
      %broadcast_in_dim3A_73 = vector.broadcast %reduce_min3A_72 : f32 to vector<16xf32>
      %reduce_max3A = arith.constant true
      %reduce_max3A_74 = vector.broadcast %reduce_max3A : i1 to vector<16xi1>
      %reduce_max3A_75 = tpu.scan <max>, %parallel_loop3A_69#1 masked %reduce_max3A_74 : vector<16xf32>, vector<16xi1> -> vector<16xf32>
      %reduce_max3A_76 = vector.extract %reduce_max3A_75[15] : f32 from vector<16xf32>
      %broadcast_in_dim3A_77 = vector.broadcast %reduce_max3A_76 : f32 to vector<16xf32>
      %sub3A_78 = arith.subf %broadcast_in_dim3A_77, %broadcast_in_dim3A_73 : vector<16xf32>
      %mul3A_79 = arith.constant 4.8828125E-4 : f32
      %mul3A_80 = vector.broadcast %mul3A_79 : f32 to vector<16xf32>
      %mul3A_81 = arith.mulf %sub3A_78, %mul3A_80 : vector<16xf32>
      %eq3A = arith.constant 0.000000e+00 : f32
      %eq3A_82 = vector.broadcast %eq3A : f32 to vector<16xf32>
      %eq3A_83 = arith.cmpf oeq, %mul3A_81, %eq3A_82 : vector<16xf32>
      %jit3A = arith.constant 1.000000e+00 : f32
      %broadcast_in_dim3A_84 = vector.broadcast %jit3A : f32 to vector<16xf32>
      %select_n3A = arith.select %eq3A_83, %broadcast_in_dim3A_84, %mul3A_81 : vector<16xi1>, vector<16xf32>
      %parallel_loop3A_85 = arith.constant 0 : i32
      %parallel_loop3A_86 = arith.constant 2048 : i32
      %parallel_loop3A_87 = arith.constant 16 : i32
      scf.for %parallel_loop3A_232 = %parallel_loop3A_85 to %parallel_loop3A_86 step %parallel_loop3A_87  : i32 {
        %parallel_loop3A_233 = arith.index_cast %parallel_loop3A_232 : i32 to index
        %parallel_loop3A_234 = tpu.vector_load %arg13[%parallel_loop3A_233] {strides = array<i32>} : memref<2048xf32, #tpu.memory_space<vmem>>, vector<16xf32>,
        %parallel_loop3A_235 = arith.subf %parallel_loop3A_234, %broadcast_in_dim3A_73 : vector<16xf32>
        %parallel_loop3A_236 = arith.divf %parallel_loop3A_235, %select_n3A : vector<16xf32>
        %parallel_loop3A_237 = arith.fptosi %parallel_loop3A_236 : vector<16xf32> to vector<16xi32>
        %parallel_loop3A_238 = arith.constant 0 : i32
        %parallel_loop3A_239 = arith.constant 2047 : i32
        %parallel_loop3A_240 = vector.broadcast %parallel_loop3A_238 : i32 to vector<16xi32>
        %parallel_loop3A_241 = arith.maxsi %parallel_loop3A_240, %parallel_loop3A_237 : vector<16xi32>
        %parallel_loop3A_242 = vector.broadcast %parallel_loop3A_239 : i32 to vector<16xi32>
        %parallel_loop3A_243 = arith.minsi %parallel_loop3A_242, %parallel_loop3A_241 : vector<16xi32>
        tpu.vector_store_idx %arg14[%parallel_loop3A_243], %broadcast_in_dim3A_5 {add = true} : memref<2048xf32, #tpu.memory_space<vmem>>[vector<16xi32>], vector<16xf32>,
      } {sc.loop_unroll_factor = 16 : i64, sc.parallel_access}
      %broadcast_in_dim3A_88 = arith.constant 3.200000e+01 : f32
      %broadcast_in_dim3A_89 = vector.broadcast %broadcast_in_dim3A_88 : f32 to vector<16xf32>
      %parallel_loop3A_90 = arith.constant 0 : i32
      %parallel_loop3A_91 = arith.constant 2048 : i32
      %parallel_loop3A_92 = arith.constant 16 : i32
      %parallel_loop3A_93 = scf.for %parallel_loop3A_232 = %parallel_loop3A_90 to %parallel_loop3A_91 step %parallel_loop3A_92 iter_args(%parallel_loop3A_233 = %broadcast_in_dim3A_3) -> (vector<16xf32>)  : i32 {
        %parallel_loop3A_234 = arith.index_cast %parallel_loop3A_232 : i32 to index
        %parallel_loop3A_235 = tpu.vector_load %arg14[%parallel_loop3A_234] {strides = array<i32>} : memref<2048xf32, #tpu.memory_space<vmem>>, vector<16xf32>,
        %parallel_loop3A_236 = arith.subf %parallel_loop3A_235, %broadcast_in_dim3A_89 : vector<16xf32>
        %parallel_loop3A_237 = math.exp %parallel_loop3A_236 : vector<16xf32>
        %parallel_loop3A_238 = arith.index_cast %parallel_loop3A_232 : i32 to index
        %parallel_loop3A_239 = tpu.vector_load %arg13[%parallel_loop3A_238] {strides = array<i32>} : memref<2048xf32, #tpu.memory_space<vmem>>, vector<16xf32>,
        tpu.vector_store %arg13[%parallel_loop3A_238], %parallel_loop3A_237 {strides = array<i32>} : memref<2048xf32, #tpu.memory_space<vmem>>, vector<16xf32>,
        %parallel_loop3A_240 = arith.addf %parallel_loop3A_233, %parallel_loop3A_237 : vector<16xf32>
        scf.yield %parallel_loop3A_240 : vector<16xf32>
      } {sc.loop_unroll_factor = 8 : i64, sc.parallel_access}
      %reduce_sum3A = arith.constant true
      %reduce_sum3A_94 = vector.broadcast %reduce_sum3A : i1 to vector<16xi1>
      %reduce_sum3A_95 = tpu.scan <sum>, %parallel_loop3A_93 masked %reduce_sum3A_94 : vector<16xf32>, vector<16xi1> -> vector<16xf32>
      %reduce_sum3A_96 = vector.extract %reduce_sum3A_95[15] : f32 from vector<16xf32>
      %broadcast_in_dim3A_97 = vector.broadcast %reduce_sum3A_96 : f32 to vector<16xf32>
      %div3A = arith.divf %broadcast_in_dim3A_5, %broadcast_in_dim3A_97 : vector<16xf32>
      %swap3A = arith.constant 0 : index
      %swap3A_98 = tpu.vector_load %arg17[%swap3A] {strides = array<i32>} : memref<16xf32, #tpu.memory_space<vmem>>, vector<16xf32>,
      tpu.vector_store %arg17[%swap3A], %div3A {strides = array<i32>} : memref<16xf32, #tpu.memory_space<vmem>>, vector<16xf32>,
      %ge3A = arith.constant 3.000000e+38 : f32
      %ge3A_99 = vector.broadcast %ge3A : f32 to vector<16xf32>
      %ge3A_100 = arith.cmpf oge, %broadcast_in_dim3A_97, %ge3A_99 : vector<16xf32>
      %reduce_or3A = arith.constant 1.000000e+00 : f32
      %reduce_or3A_101 = arith.constant 0.000000e+00 : f32
      %reduce_or3A_102 = vector.broadcast %reduce_or3A : f32 to vector<16xf32>
      %reduce_or3A_103 = vector.broadcast %reduce_or3A_101 : f32 to vector<16xf32>
      %reduce_or3A_104 = arith.select %ge3A_100, %reduce_or3A_102, %reduce_or3A_103 : vector<16xi1>, vector<16xf32>
      %reduce_or3A_105 = arith.constant true
      %reduce_or3A_106 = vector.broadcast %reduce_or3A_105 : i1 to vector<16xi1>
      %reduce_or3A_107 = tpu.scan <max>, %reduce_or3A_104 masked %reduce_or3A_106 : vector<16xf32>, vector<16xi1> -> vector<16xf32>
      %reduce_or3A_108 = vector.extract %reduce_or3A_107[15] : f32 from vector<16xf32>
      %reduce_or3A_109 = arith.constant 0.000000e+00 : f32
      %reduce_or3A_110 = arith.cmpf ogt, %reduce_or3A_108, %reduce_or3A_109 : f32
      %convert_element_type3A_111 = arith.extui %reduce_or3A_110 : i1 to i32
      %cond3A_112 = arith.constant 0 : i32
      %cond3A_113 = arith.cmpi ne, %convert_element_type3A_111, %cond3A_112 : i32
      scf.if %cond3A_113 {
        %parallel_loop3A_232 = arith.constant 0 : i32
        %parallel_loop3A_233 = arith.constant 2048 : i32
        %parallel_loop3A_234 = arith.constant 16 : i32
        %parallel_loop3A_235 = scf.for %parallel_loop3A_253 = %parallel_loop3A_232 to %parallel_loop3A_233 step %parallel_loop3A_234 iter_args(%parallel_loop3A_254 = %broadcast_in_dim3A_3) -> (vector<16xf32>)  : i32 {
          %parallel_loop3A_255 = arith.index_cast %parallel_loop3A_253 : i32 to index
          %parallel_loop3A_256 = tpu.vector_load %arg14[%parallel_loop3A_255] {strides = array<i32>} : memref<2048xf32, #tpu.memory_space<vmem>>, vector<16xf32>,
          %parallel_loop3A_257 = arith.maximumf %parallel_loop3A_254, %parallel_loop3A_256 : vector<16xf32>
          scf.yield %parallel_loop3A_257 : vector<16xf32>
        } {sc.loop_unroll_factor = 8 : i64, sc.parallel_access}
        %reduce_max3A_236 = arith.constant true
        %reduce_max3A_237 = vector.broadcast %reduce_max3A_236 : i1 to vector<16xi1>
        %reduce_max3A_238 = tpu.scan <max>, %parallel_loop3A_235 masked %reduce_max3A_237 : vector<16xf32>, vector<16xi1> -> vector<16xf32>
        %reduce_max3A_239 = vector.extract %reduce_max3A_238[15] : f32 from vector<16xf32>
        %broadcast_in_dim3A_240 = vector.broadcast %reduce_max3A_239 : f32 to vector<16xf32>
        %parallel_loop3A_241 = arith.constant 0 : i32
        %parallel_loop3A_242 = arith.constant 2048 : i32
        %parallel_loop3A_243 = arith.constant 16 : i32
        %parallel_loop3A_244 = scf.for %parallel_loop3A_253 = %parallel_loop3A_241 to %parallel_loop3A_242 step %parallel_loop3A_243 iter_args(%parallel_loop3A_254 = %broadcast_in_dim3A_3) -> (vector<16xf32>)  : i32 {
          %parallel_loop3A_255 = arith.index_cast %parallel_loop3A_253 : i32 to index
          %parallel_loop3A_256 = tpu.vector_load %arg14[%parallel_loop3A_255] {strides = array<i32>} : memref<2048xf32, #tpu.memory_space<vmem>>, vector<16xf32>,
          %parallel_loop3A_257 = arith.subf %parallel_loop3A_256, %broadcast_in_dim3A_240 : vector<16xf32>
          %parallel_loop3A_258 = math.exp %parallel_loop3A_257 : vector<16xf32>
          %parallel_loop3A_259 = arith.index_cast %parallel_loop3A_253 : i32 to index
          %parallel_loop3A_260 = tpu.vector_load %arg13[%parallel_loop3A_259] {strides = array<i32>} : memref<2048xf32, #tpu.memory_space<vmem>>, vector<16xf32>,
          tpu.vector_store %arg13[%parallel_loop3A_259], %parallel_loop3A_258 {strides = array<i32>} : memref<2048xf32, #tpu.memory_space<vmem>>, vector<16xf32>,
          %parallel_loop3A_261 = arith.addf %parallel_loop3A_254, %parallel_loop3A_258 : vector<16xf32>
          scf.yield %parallel_loop3A_261 : vector<16xf32>
        } {sc.loop_unroll_factor = 8 : i64, sc.parallel_access}
        %reduce_sum3A_245 = arith.constant true
        %reduce_sum3A_246 = vector.broadcast %reduce_sum3A_245 : i1 to vector<16xi1>
        %reduce_sum3A_247 = tpu.scan <sum>, %parallel_loop3A_244 masked %reduce_sum3A_246 : vector<16xf32>, vector<16xi1> -> vector<16xf32>
        %reduce_sum3A_248 = vector.extract %reduce_sum3A_247[15] : f32 from vector<16xf32>
        %broadcast_in_dim3A_249 = vector.broadcast %reduce_sum3A_248 : f32 to vector<16xf32>
        %div3A_250 = arith.divf %broadcast_in_dim3A_5, %broadcast_in_dim3A_249 : vector<16xf32>
        %swap3A_251 = arith.constant 0 : index
        %swap3A_252 = tpu.vector_load %arg17[%swap3A_251] {strides = array<i32>} : memref<16xf32, #tpu.memory_space<vmem>>, vector<16xf32>,
        tpu.vector_store %arg17[%swap3A_251], %div3A_250 {strides = array<i32>} : memref<16xf32, #tpu.memory_space<vmem>>, vector<16xf32>,
      } else {
      }
      %get3A = arith.constant 0 : index
      %get3A_114 = tpu.vector_load %arg17[%get3A] {strides = array<i32>} : memref<16xf32, #tpu.memory_space<vmem>>, vector<16xf32>,
      %ge3A_115 = arith.constant 2 : i32
      %ge3A_116 = arith.cmpi sge, %mul3A_44, %ge3A_115 : i32
      %convert_element_type3A_117 = arith.extui %ge3A_116 : i1 to i32
      %cond3A_118 = arith.constant 0 : i32
      %cond3A_119 = arith.cmpi ne, %convert_element_type3A_117, %cond3A_118 : i32
      scf.if %cond3A_119 {
        %sub3A_232 = arith.constant 2 : i32
        %sub3A_233 = arith.subi %add3A_45, %sub3A_232 : i32
        %dma_wait3A_234 = arith.constant 0 : i32
        %dma_wait3A_235 = tpu.memref_slice %arg6[%sub3A_233, %dma_wait3A_234] : memref<16384x2048xf32, #tpu.memory_space<hbm>> -> memref<1x2048xf32, #tpu.memory_space<hbm>>
        %dma_wait3A_236 = tpu.memref_squeeze %dma_wait3A_235 : memref<1x2048xf32, #tpu.memory_space<hbm>> -> memref<2048xf32, #tpu.memory_space<hbm>>
        %dma_wait3A_237 = arith.constant 0 : i32
        %dma_wait3A_238 = tpu.memref_slice %arg6[%sub3A_233, %dma_wait3A_237] : memref<16384x2048xf32, #tpu.memory_space<hbm>> -> memref<1x2048xf32, #tpu.memory_space<hbm>>
        %dma_wait3A_239 = tpu.memref_squeeze %dma_wait3A_238 : memref<1x2048xf32, #tpu.memory_space<hbm>> -> memref<2048xf32, #tpu.memory_space<hbm>>
        tpu.wait_dma2 semaphore(%arg22 : memref<!tpu.dma_semaphore, #tpu.memory_space<semaphore_mem>>) src(%arg15 : memref<2048xf32, #tpu.memory_space<vmem>>) dst(%dma_wait3A_239 : memref<2048xf32, #tpu.memory_space<hbm>>)
      } else {
      }
      %parallel_loop3A_120 = arith.constant 0 : i32
      %parallel_loop3A_121 = arith.constant 2048 : i32
      %parallel_loop3A_122 = arith.constant 16 : i32
      scf.for %parallel_loop3A_232 = %parallel_loop3A_120 to %parallel_loop3A_121 step %parallel_loop3A_122  : i32 {
        %parallel_loop3A_233 = arith.index_cast %parallel_loop3A_232 : i32 to index
        %parallel_loop3A_234 = tpu.vector_load %arg13[%parallel_loop3A_233] {strides = array<i32>} : memref<2048xf32, #tpu.memory_space<vmem>>, vector<16xf32>,
        %parallel_loop3A_235 = arith.mulf %parallel_loop3A_234, %get3A_114 : vector<16xf32>
        %parallel_loop3A_236 = arith.constant 4.000000e-04 : f32
        %parallel_loop3A_237 = vector.broadcast %parallel_loop3A_236 : f32 to vector<16xf32>
        %parallel_loop3A_238 = arith.cmpf olt, %parallel_loop3A_235, %parallel_loop3A_237 : vector<16xf32>
        %parallel_loop3A_239 = arith.constant 0.000000e+00 : f32
        %parallel_loop3A_240 = vector.broadcast %parallel_loop3A_239 : f32 to vector<16xf32>
        %parallel_loop3A_241 = arith.select %parallel_loop3A_238, %parallel_loop3A_240, %parallel_loop3A_235 : vector<16xi1>, vector<16xf32>
        %parallel_loop3A_242 = arith.index_cast %parallel_loop3A_232 : i32 to index
        %parallel_loop3A_243 = tpu.vector_load %arg11[%parallel_loop3A_242] {strides = array<i32>} : memref<2048xf32, #tpu.memory_space<vmem>>, vector<16xf32>,
        %parallel_loop3A_244 = arith.mulf %parallel_loop3A_243, %parallel_loop3A_241 : vector<16xf32>
        %parallel_loop3A_245 = arith.index_cast %parallel_loop3A_232 : i32 to index
        %parallel_loop3A_246 = tpu.vector_load %arg15[%parallel_loop3A_245] {strides = array<i32>} : memref<2048xf32, #tpu.memory_space<vmem>>, vector<16xf32>,
        tpu.vector_store %arg15[%parallel_loop3A_245], %parallel_loop3A_244 {strides = array<i32>} : memref<2048xf32, #tpu.memory_space<vmem>>, vector<16xf32>,
        %parallel_loop3A_247 = arith.index_cast %parallel_loop3A_232 : i32 to index
        %parallel_loop3A_248 = tpu.vector_load %arg14[%parallel_loop3A_247] {strides = array<i32>} : memref<2048xf32, #tpu.memory_space<vmem>>, vector<16xf32>,
        tpu.vector_store %arg14[%parallel_loop3A_247], %broadcast_in_dim3A_3 {strides = array<i32>} : memref<2048xf32, #tpu.memory_space<vmem>>, vector<16xf32>,
      } {sc.loop_unroll_factor = 8 : i64, sc.parallel_access}
      %dma_start3A_123 = arith.constant 0 : i32
      %dma_start3A_124 = tpu.memref_slice %arg6[%add3A_45, %dma_start3A_123] : memref<16384x2048xf32, #tpu.memory_space<hbm>> -> memref<1x2048xf32, #tpu.memory_space<hbm>>
      %dma_start3A_125 = tpu.memref_squeeze %dma_start3A_124 : memref<1x2048xf32, #tpu.memory_space<hbm>> -> memref<2048xf32, #tpu.memory_space<hbm>>
      %dma_start3A_126 = arith.constant 0 : i32
      %dma_start3A_127 = tpu.memref_slice %arg6[%add3A_45, %dma_start3A_126] : memref<16384x2048xf32, #tpu.memory_space<hbm>> -> memref<1x2048xf32, #tpu.memory_space<hbm>>
      %dma_start3A_128 = tpu.memref_squeeze %dma_start3A_127 : memref<1x2048xf32, #tpu.memory_space<hbm>> -> memref<2048xf32, #tpu.memory_space<hbm>>
      tpu.enqueue_dma source(%arg15 : memref<2048xf32, #tpu.memory_space<vmem>>) target(%dma_start3A_128 : memref<2048xf32, #tpu.memory_space<hbm>>) target_semaphore(%arg22 : memref<!tpu.dma_semaphore, #tpu.memory_space<semaphore_mem>>)
      %mul3A_129 = arith.constant 2 : i32
      %mul3A_130 = arith.muli %scan3A_41, %mul3A_129 : i32
      %add3A_131 = arith.constant 1 : i32
      %add3A_132 = arith.addi %mul3A_130, %add3A_131 : i32
      %add3A_133 = arith.addi %mul3A_2, %add3A_132 : i32
      %add3A_134 = arith.constant 1 : i32
      %add3A_135 = arith.addi %add3A_132, %add3A_134 : i32
      %lt3A_136 = arith.constant 512 : i32
      %lt3A_137 = arith.cmpi slt, %add3A_135, %lt3A_136 : i32
      %convert_element_type3A_138 = arith.extui %lt3A_137 : i1 to i32
      %cond3A_139 = arith.constant 0 : i32
      %cond3A_140 = arith.cmpi ne, %convert_element_type3A_138, %cond3A_139 : i32
      scf.if %cond3A_140 {
        %add3A_232 = arith.constant 1 : i32
        %add3A_233 = arith.addi %add3A_133, %add3A_232 : i32
        %dma_start3A_234 = arith.constant 0 : i32
        %dma_start3A_235 = tpu.memref_slice %arg4[%add3A_233, %dma_start3A_234] : memref<16384x2048xf32, #tpu.memory_space<hbm>> -> memref<1x2048xf32, #tpu.memory_space<hbm>>
        %dma_start3A_236 = tpu.memref_squeeze %dma_start3A_235 : memref<1x2048xf32, #tpu.memory_space<hbm>> -> memref<2048xf32, #tpu.memory_space<hbm>>
        %dma_start3A_237 = arith.constant 0 : i32
        %dma_start3A_238 = tpu.memref_slice %arg4[%add3A_233, %dma_start3A_237] : memref<16384x2048xf32, #tpu.memory_space<hbm>> -> memref<1x2048xf32, #tpu.memory_space<hbm>>
        %dma_start3A_239 = tpu.memref_squeeze %dma_start3A_238 : memref<1x2048xf32, #tpu.memory_space<hbm>> -> memref<2048xf32, #tpu.memory_space<hbm>>
        tpu.enqueue_dma source(%dma_start3A_239 : memref<2048xf32, #tpu.memory_space<hbm>>) target(%arg9 : memref<2048xf32, #tpu.memory_space<vmem>>) target_semaphore(%arg18 : memref<!tpu.dma_semaphore, #tpu.memory_space<semaphore_mem>>)
        %add3A_240 = arith.constant 1 : i32
        %add3A_241 = arith.addi %add3A_133, %add3A_240 : i32
        %dma_start3A_242 = arith.constant 0 : i32
        %dma_start3A_243 = tpu.memref_slice %arg5[%add3A_241, %dma_start3A_242] : memref<16384x2048xf32, #tpu.memory_space<hbm>> -> memref<1x2048xf32, #tpu.memory_space<hbm>>
        %dma_start3A_244 = tpu.memref_squeeze %dma_start3A_243 : memref<1x2048xf32, #tpu.memory_space<hbm>> -> memref<2048xf32, #tpu.memory_space<hbm>>
        %dma_start3A_245 = arith.constant 0 : i32
        %dma_start3A_246 = tpu.memref_slice %arg5[%add3A_241, %dma_start3A_245] : memref<16384x2048xf32, #tpu.memory_space<hbm>> -> memref<1x2048xf32, #tpu.memory_space<hbm>>
        %dma_start3A_247 = tpu.memref_squeeze %dma_start3A_246 : memref<1x2048xf32, #tpu.memory_space<hbm>> -> memref<2048xf32, #tpu.memory_space<hbm>>
        tpu.enqueue_dma source(%dma_start3A_247 : memref<2048xf32, #tpu.memory_space<hbm>>) target(%arg11 : memref<2048xf32, #tpu.memory_space<vmem>>) target_semaphore(%arg20 : memref<!tpu.dma_semaphore, #tpu.memory_space<semaphore_mem>>)
      } else {
      }
      %dma_wait3A_141 = arith.constant 0 : i32
      %dma_wait3A_142 = tpu.memref_slice %arg4[%add3A_133, %dma_wait3A_141] : memref<16384x2048xf32, #tpu.memory_space<hbm>> -> memref<1x2048xf32, #tpu.memory_space<hbm>>
      %dma_wait3A_143 = tpu.memref_squeeze %dma_wait3A_142 : memref<1x2048xf32, #tpu.memory_space<hbm>> -> memref<2048xf32, #tpu.memory_space<hbm>>
      %dma_wait3A_144 = arith.constant 0 : i32
      %dma_wait3A_145 = tpu.memref_slice %arg4[%add3A_133, %dma_wait3A_144] : memref<16384x2048xf32, #tpu.memory_space<hbm>> -> memref<1x2048xf32, #tpu.memory_space<hbm>>
      %dma_wait3A_146 = tpu.memref_squeeze %dma_wait3A_145 : memref<1x2048xf32, #tpu.memory_space<hbm>> -> memref<2048xf32, #tpu.memory_space<hbm>>
      tpu.wait_dma2 semaphore(%arg19 : memref<!tpu.dma_semaphore, #tpu.memory_space<semaphore_mem>>) src(%dma_wait3A_146 : memref<2048xf32, #tpu.memory_space<hbm>>) dst(%arg10 : memref<2048xf32, #tpu.memory_space<vmem>>)
      %dma_wait3A_147 = arith.constant 0 : i32
      %dma_wait3A_148 = tpu.memref_slice %arg5[%add3A_133, %dma_wait3A_147] : memref<16384x2048xf32, #tpu.memory_space<hbm>> -> memref<1x2048xf32, #tpu.memory_space<hbm>>
      %dma_wait3A_149 = tpu.memref_squeeze %dma_wait3A_148 : memref<1x2048xf32, #tpu.memory_space<hbm>> -> memref<2048xf32, #tpu.memory_space<hbm>>
      %dma_wait3A_150 = arith.constant 0 : i32
      %dma_wait3A_151 = tpu.memref_slice %arg5[%add3A_133, %dma_wait3A_150] : memref<16384x2048xf32, #tpu.memory_space<hbm>> -> memref<1x2048xf32, #tpu.memory_space<hbm>>
      %dma_wait3A_152 = tpu.memref_squeeze %dma_wait3A_151 : memref<1x2048xf32, #tpu.memory_space<hbm>> -> memref<2048xf32, #tpu.memory_space<hbm>>
      tpu.wait_dma2 semaphore(%arg21 : memref<!tpu.dma_semaphore, #tpu.memory_space<semaphore_mem>>) src(%dma_wait3A_152 : memref<2048xf32, #tpu.memory_space<hbm>>) dst(%arg12 : memref<2048xf32, #tpu.memory_space<vmem>>)
      %broadcast_in_dim3A_153 = arith.constant 0x7F800000 : f32
      %broadcast_in_dim3A_154 = vector.broadcast %broadcast_in_dim3A_153 : f32 to vector<16xf32>
      %broadcast_in_dim3A_155 = arith.constant 0xFF800000 : f32
      %broadcast_in_dim3A_156 = vector.broadcast %broadcast_in_dim3A_155 : f32 to vector<16xf32>
      %parallel_loop3A_157 = arith.constant 0 : i32
      %parallel_loop3A_158 = arith.constant 2048 : i32
      %parallel_loop3A_159 = arith.constant 16 : i32
      %parallel_loop3A_160:2 = scf.for %parallel_loop3A_232 = %parallel_loop3A_157 to %parallel_loop3A_158 step %parallel_loop3A_159 iter_args(%parallel_loop3A_233 = %broadcast_in_dim3A_154, %parallel_loop3A_234 = %broadcast_in_dim3A_156) -> (vector<16xf32>, vector<16xf32>)  : i32 {
        %parallel_loop3A_235 = arith.index_cast %parallel_loop3A_232 : i32 to index
        %parallel_loop3A_236 = tpu.vector_load %arg7[%parallel_loop3A_235] {strides = array<i32>} : memref<2048xf32, #tpu.memory_space<vmem>>, vector<16xf32>,
        %parallel_loop3A_237 = arith.index_cast %parallel_loop3A_232 : i32 to index
        %parallel_loop3A_238 = tpu.vector_load %arg8[%parallel_loop3A_237] {strides = array<i32>} : memref<2048xf32, #tpu.memory_space<vmem>>, vector<16xf32>,
        %parallel_loop3A_239 = arith.index_cast %parallel_loop3A_232 : i32 to index
        %parallel_loop3A_240 = tpu.vector_load %arg10[%parallel_loop3A_239] {strides = array<i32>} : memref<2048xf32, #tpu.memory_space<vmem>>, vector<16xf32>,
        %parallel_loop3A_241 = arith.mulf %parallel_loop3A_238, %parallel_loop3A_240 : vector<16xf32>
        %parallel_loop3A_242 = arith.addf %parallel_loop3A_236, %parallel_loop3A_241 : vector<16xf32>
        %parallel_loop3A_243 = arith.index_cast %parallel_loop3A_232 : i32 to index
        %parallel_loop3A_244 = tpu.vector_load %arg13[%parallel_loop3A_243] {strides = array<i32>} : memref<2048xf32, #tpu.memory_space<vmem>>, vector<16xf32>,
        tpu.vector_store %arg13[%parallel_loop3A_243], %parallel_loop3A_242 {strides = array<i32>} : memref<2048xf32, #tpu.memory_space<vmem>>, vector<16xf32>,
        %parallel_loop3A_245 = arith.minimumf %parallel_loop3A_233, %parallel_loop3A_242 : vector<16xf32>
        %parallel_loop3A_246 = arith.maximumf %parallel_loop3A_234, %parallel_loop3A_242 : vector<16xf32>
        scf.yield %parallel_loop3A_245, %parallel_loop3A_246 : vector<16xf32>, vector<16xf32>
      } {sc.loop_unroll_factor = 8 : i64, sc.parallel_access}
      %reduce_min3A_161 = arith.constant true
      %reduce_min3A_162 = vector.broadcast %reduce_min3A_161 : i1 to vector<16xi1>
      %reduce_min3A_163 = tpu.scan <min>, %parallel_loop3A_160#0 masked %reduce_min3A_162 : vector<16xf32>, vector<16xi1> -> vector<16xf32>
      %reduce_min3A_164 = vector.extract %reduce_min3A_163[15] : f32 from vector<16xf32>
      %broadcast_in_dim3A_165 = vector.broadcast %reduce_min3A_164 : f32 to vector<16xf32>
      %reduce_max3A_166 = arith.constant true
      %reduce_max3A_167 = vector.broadcast %reduce_max3A_166 : i1 to vector<16xi1>
      %reduce_max3A_168 = tpu.scan <max>, %parallel_loop3A_160#1 masked %reduce_max3A_167 : vector<16xf32>, vector<16xi1> -> vector<16xf32>
      %reduce_max3A_169 = vector.extract %reduce_max3A_168[15] : f32 from vector<16xf32>
      %broadcast_in_dim3A_170 = vector.broadcast %reduce_max3A_169 : f32 to vector<16xf32>
      %sub3A_171 = arith.subf %broadcast_in_dim3A_170, %broadcast_in_dim3A_165 : vector<16xf32>
      %mul3A_172 = arith.constant 4.8828125E-4 : f32
      %mul3A_173 = vector.broadcast %mul3A_172 : f32 to vector<16xf32>
      %mul3A_174 = arith.mulf %sub3A_171, %mul3A_173 : vector<16xf32>
      %eq3A_175 = arith.constant 0.000000e+00 : f32
      %eq3A_176 = vector.broadcast %eq3A_175 : f32 to vector<16xf32>
      %eq3A_177 = arith.cmpf oeq, %mul3A_174, %eq3A_176 : vector<16xf32>
      %jit3A_178 = arith.constant 1.000000e+00 : f32
      %broadcast_in_dim3A_179 = vector.broadcast %jit3A_178 : f32 to vector<16xf32>
      %select_n3A_180 = arith.select %eq3A_177, %broadcast_in_dim3A_179, %mul3A_174 : vector<16xi1>, vector<16xf32>
      %parallel_loop3A_181 = arith.constant 0 : i32
      %parallel_loop3A_182 = arith.constant 2048 : i32
      %parallel_loop3A_183 = arith.constant 16 : i32
      scf.for %parallel_loop3A_232 = %parallel_loop3A_181 to %parallel_loop3A_182 step %parallel_loop3A_183  : i32 {
        %parallel_loop3A_233 = arith.index_cast %parallel_loop3A_232 : i32 to index
        %parallel_loop3A_234 = tpu.vector_load %arg13[%parallel_loop3A_233] {strides = array<i32>} : memref<2048xf32, #tpu.memory_space<vmem>>, vector<16xf32>,
        %parallel_loop3A_235 = arith.subf %parallel_loop3A_234, %broadcast_in_dim3A_165 : vector<16xf32>
        %parallel_loop3A_236 = arith.divf %parallel_loop3A_235, %select_n3A_180 : vector<16xf32>
        %parallel_loop3A_237 = arith.fptosi %parallel_loop3A_236 : vector<16xf32> to vector<16xi32>
        %parallel_loop3A_238 = arith.constant 0 : i32
        %parallel_loop3A_239 = arith.constant 2047 : i32
        %parallel_loop3A_240 = vector.broadcast %parallel_loop3A_238 : i32 to vector<16xi32>
        %parallel_loop3A_241 = arith.maxsi %parallel_loop3A_240, %parallel_loop3A_237 : vector<16xi32>
        %parallel_loop3A_242 = vector.broadcast %parallel_loop3A_239 : i32 to vector<16xi32>
        %parallel_loop3A_243 = arith.minsi %parallel_loop3A_242, %parallel_loop3A_241 : vector<16xi32>
        tpu.vector_store_idx %arg14[%parallel_loop3A_243], %broadcast_in_dim3A_5 {add = true} : memref<2048xf32, #tpu.memory_space<vmem>>[vector<16xi32>], vector<16xf32>,
      } {sc.loop_unroll_factor = 16 : i64, sc.parallel_access}
      %broadcast_in_dim3A_184 = arith.constant 3.200000e+01 : f32
      %broadcast_in_dim3A_185 = vector.broadcast %broadcast_in_dim3A_184 : f32 to vector<16xf32>
      %parallel_loop3A_186 = arith.constant 0 : i32
      %parallel_loop3A_187 = arith.constant 2048 : i32
      %parallel_loop3A_188 = arith.constant 16 : i32
      %parallel_loop3A_189 = scf.for %parallel_loop3A_232 = %parallel_loop3A_186 to %parallel_loop3A_187 step %parallel_loop3A_188 iter_args(%parallel_loop3A_233 = %broadcast_in_dim3A_3) -> (vector<16xf32>)  : i32 {
        %parallel_loop3A_234 = arith.index_cast %parallel_loop3A_232 : i32 to index
        %parallel_loop3A_235 = tpu.vector_load %arg14[%parallel_loop3A_234] {strides = array<i32>} : memref<2048xf32, #tpu.memory_space<vmem>>, vector<16xf32>,
        %parallel_loop3A_236 = arith.subf %parallel_loop3A_235, %broadcast_in_dim3A_185 : vector<16xf32>
        %parallel_loop3A_237 = math.exp %parallel_loop3A_236 : vector<16xf32>
        %parallel_loop3A_238 = arith.index_cast %parallel_loop3A_232 : i32 to index
        %parallel_loop3A_239 = tpu.vector_load %arg13[%parallel_loop3A_238] {strides = array<i32>} : memref<2048xf32, #tpu.memory_space<vmem>>, vector<16xf32>,
        tpu.vector_store %arg13[%parallel_loop3A_238], %parallel_loop3A_237 {strides = array<i32>} : memref<2048xf32, #tpu.memory_space<vmem>>, vector<16xf32>,
        %parallel_loop3A_240 = arith.addf %parallel_loop3A_233, %parallel_loop3A_237 : vector<16xf32>
        scf.yield %parallel_loop3A_240 : vector<16xf32>
      } {sc.loop_unroll_factor = 8 : i64, sc.parallel_access}
      %reduce_sum3A_190 = arith.constant true
      %reduce_sum3A_191 = vector.broadcast %reduce_sum3A_190 : i1 to vector<16xi1>
      %reduce_sum3A_192 = tpu.scan <sum>, %parallel_loop3A_189 masked %reduce_sum3A_191 : vector<16xf32>, vector<16xi1> -> vector<16xf32>
      %reduce_sum3A_193 = vector.extract %reduce_sum3A_192[15] : f32 from vector<16xf32>
      %broadcast_in_dim3A_194 = vector.broadcast %reduce_sum3A_193 : f32 to vector<16xf32>
      %div3A_195 = arith.divf %broadcast_in_dim3A_5, %broadcast_in_dim3A_194 : vector<16xf32>
      %swap3A_196 = arith.constant 0 : index
      %swap3A_197 = tpu.vector_load %arg17[%swap3A_196] {strides = array<i32>} : memref<16xf32, #tpu.memory_space<vmem>>, vector<16xf32>,
      tpu.vector_store %arg17[%swap3A_196], %div3A_195 {strides = array<i32>} : memref<16xf32, #tpu.memory_space<vmem>>, vector<16xf32>,
      %ge3A_198 = arith.constant 3.000000e+38 : f32
      %ge3A_199 = vector.broadcast %ge3A_198 : f32 to vector<16xf32>
      %ge3A_200 = arith.cmpf oge, %broadcast_in_dim3A_194, %ge3A_199 : vector<16xf32>
      %reduce_or3A_201 = arith.constant 1.000000e+00 : f32
      %reduce_or3A_202 = arith.constant 0.000000e+00 : f32
      %reduce_or3A_203 = vector.broadcast %reduce_or3A_201 : f32 to vector<16xf32>
      %reduce_or3A_204 = vector.broadcast %reduce_or3A_202 : f32 to vector<16xf32>
      %reduce_or3A_205 = arith.select %ge3A_200, %reduce_or3A_203, %reduce_or3A_204 : vector<16xi1>, vector<16xf32>
      %reduce_or3A_206 = arith.constant true
      %reduce_or3A_207 = vector.broadcast %reduce_or3A_206 : i1 to vector<16xi1>
      %reduce_or3A_208 = tpu.scan <max>, %reduce_or3A_205 masked %reduce_or3A_207 : vector<16xf32>, vector<16xi1> -> vector<16xf32>
      %reduce_or3A_209 = vector.extract %reduce_or3A_208[15] : f32 from vector<16xf32>
      %reduce_or3A_210 = arith.constant 0.000000e+00 : f32
      %reduce_or3A_211 = arith.cmpf ogt, %reduce_or3A_209, %reduce_or3A_210 : f32
      %convert_element_type3A_212 = arith.extui %reduce_or3A_211 : i1 to i32
      %cond3A_213 = arith.constant 0 : i32
      %cond3A_214 = arith.cmpi ne, %convert_element_type3A_212, %cond3A_213 : i32
      scf.if %cond3A_214 {
        %parallel_loop3A_232 = arith.constant 0 : i32
        %parallel_loop3A_233 = arith.constant 2048 : i32
        %parallel_loop3A_234 = arith.constant 16 : i32
        %parallel_loop3A_235 = scf.for %parallel_loop3A_253 = %parallel_loop3A_232 to %parallel_loop3A_233 step %parallel_loop3A_234 iter_args(%parallel_loop3A_254 = %broadcast_in_dim3A_3) -> (vector<16xf32>)  : i32 {
          %parallel_loop3A_255 = arith.index_cast %parallel_loop3A_253 : i32 to index
          %parallel_loop3A_256 = tpu.vector_load %arg14[%parallel_loop3A_255] {strides = array<i32>} : memref<2048xf32, #tpu.memory_space<vmem>>, vector<16xf32>,
          %parallel_loop3A_257 = arith.maximumf %parallel_loop3A_254, %parallel_loop3A_256 : vector<16xf32>
          scf.yield %parallel_loop3A_257 : vector<16xf32>
        } {sc.loop_unroll_factor = 8 : i64, sc.parallel_access}
        %reduce_max3A_236 = arith.constant true
        %reduce_max3A_237 = vector.broadcast %reduce_max3A_236 : i1 to vector<16xi1>
        %reduce_max3A_238 = tpu.scan <max>, %parallel_loop3A_235 masked %reduce_max3A_237 : vector<16xf32>, vector<16xi1> -> vector<16xf32>
        %reduce_max3A_239 = vector.extract %reduce_max3A_238[15] : f32 from vector<16xf32>
        %broadcast_in_dim3A_240 = vector.broadcast %reduce_max3A_239 : f32 to vector<16xf32>
        %parallel_loop3A_241 = arith.constant 0 : i32
        %parallel_loop3A_242 = arith.constant 2048 : i32
        %parallel_loop3A_243 = arith.constant 16 : i32
        %parallel_loop3A_244 = scf.for %parallel_loop3A_253 = %parallel_loop3A_241 to %parallel_loop3A_242 step %parallel_loop3A_243 iter_args(%parallel_loop3A_254 = %broadcast_in_dim3A_3) -> (vector<16xf32>)  : i32 {
          %parallel_loop3A_255 = arith.index_cast %parallel_loop3A_253 : i32 to index
          %parallel_loop3A_256 = tpu.vector_load %arg14[%parallel_loop3A_255] {strides = array<i32>} : memref<2048xf32, #tpu.memory_space<vmem>>, vector<16xf32>,
          %parallel_loop3A_257 = arith.subf %parallel_loop3A_256, %broadcast_in_dim3A_240 : vector<16xf32>
          %parallel_loop3A_258 = math.exp %parallel_loop3A_257 : vector<16xf32>
          %parallel_loop3A_259 = arith.index_cast %parallel_loop3A_253 : i32 to index
          %parallel_loop3A_260 = tpu.vector_load %arg13[%parallel_loop3A_259] {strides = array<i32>} : memref<2048xf32, #tpu.memory_space<vmem>>, vector<16xf32>,
          tpu.vector_store %arg13[%parallel_loop3A_259], %parallel_loop3A_258 {strides = array<i32>} : memref<2048xf32, #tpu.memory_space<vmem>>, vector<16xf32>,
          %parallel_loop3A_261 = arith.addf %parallel_loop3A_254, %parallel_loop3A_258 : vector<16xf32>
          scf.yield %parallel_loop3A_261 : vector<16xf32>
        } {sc.loop_unroll_factor = 8 : i64, sc.parallel_access}
        %reduce_sum3A_245 = arith.constant true
        %reduce_sum3A_246 = vector.broadcast %reduce_sum3A_245 : i1 to vector<16xi1>
        %reduce_sum3A_247 = tpu.scan <sum>, %parallel_loop3A_244 masked %reduce_sum3A_246 : vector<16xf32>, vector<16xi1> -> vector<16xf32>
        %reduce_sum3A_248 = vector.extract %reduce_sum3A_247[15] : f32 from vector<16xf32>
        %broadcast_in_dim3A_249 = vector.broadcast %reduce_sum3A_248 : f32 to vector<16xf32>
        %div3A_250 = arith.divf %broadcast_in_dim3A_5, %broadcast_in_dim3A_249 : vector<16xf32>
        %swap3A_251 = arith.constant 0 : index
        %swap3A_252 = tpu.vector_load %arg17[%swap3A_251] {strides = array<i32>} : memref<16xf32, #tpu.memory_space<vmem>>, vector<16xf32>,
        tpu.vector_store %arg17[%swap3A_251], %div3A_250 {strides = array<i32>} : memref<16xf32, #tpu.memory_space<vmem>>, vector<16xf32>,
      } else {
      }
      %get3A_215 = arith.constant 0 : index
      %get3A_216 = tpu.vector_load %arg17[%get3A_215] {strides = array<i32>} : memref<16xf32, #tpu.memory_space<vmem>>, vector<16xf32>,
      %ge3A_217 = arith.constant 2 : i32
      %ge3A_218 = arith.cmpi sge, %add3A_132, %ge3A_217 : i32
      %convert_element_type3A_219 = arith.extui %ge3A_218 : i1 to i32
      %cond3A_220 = arith.constant 0 : i32
      %cond3A_221 = arith.cmpi ne, %convert_element_type3A_219, %cond3A_220 : i32
      scf.if %cond3A_221 {
        %sub3A_232 = arith.constant 2 : i32
        %sub3A_233 = arith.subi %add3A_133, %sub3A_232 : i32
        %dma_wait3A_234 = arith.constant 0 : i32
        %dma_wait3A_235 = tpu.memref_slice %arg6[%sub3A_233, %dma_wait3A_234] : memref<16384x2048xf32, #tpu.memory_space<hbm>> -> memref<1x2048xf32, #tpu.memory_space<hbm>>
        %dma_wait3A_236 = tpu.memref_squeeze %dma_wait3A_235 : memref<1x2048xf32, #tpu.memory_space<hbm>> -> memref<2048xf32, #tpu.memory_space<hbm>>
        %dma_wait3A_237 = arith.constant 0 : i32
        %dma_wait3A_238 = tpu.memref_slice %arg6[%sub3A_233, %dma_wait3A_237] : memref<16384x2048xf32, #tpu.memory_space<hbm>> -> memref<1x2048xf32, #tpu.memory_space<hbm>>
        %dma_wait3A_239 = tpu.memref_squeeze %dma_wait3A_238 : memref<1x2048xf32, #tpu.memory_space<hbm>> -> memref<2048xf32, #tpu.memory_space<hbm>>
        tpu.wait_dma2 semaphore(%arg23 : memref<!tpu.dma_semaphore, #tpu.memory_space<semaphore_mem>>) src(%arg16 : memref<2048xf32, #tpu.memory_space<vmem>>) dst(%dma_wait3A_239 : memref<2048xf32, #tpu.memory_space<hbm>>)
      } else {
      }
      %parallel_loop3A_222 = arith.constant 0 : i32
      %parallel_loop3A_223 = arith.constant 2048 : i32
      %parallel_loop3A_224 = arith.constant 16 : i32
      scf.for %parallel_loop3A_232 = %parallel_loop3A_222 to %parallel_loop3A_223 step %parallel_loop3A_224  : i32 {
        %parallel_loop3A_233 = arith.index_cast %parallel_loop3A_232 : i32 to index
        %parallel_loop3A_234 = tpu.vector_load %arg13[%parallel_loop3A_233] {strides = array<i32>} : memref<2048xf32, #tpu.memory_space<vmem>>, vector<16xf32>,
        %parallel_loop3A_235 = arith.mulf %parallel_loop3A_234, %get3A_216 : vector<16xf32>
        %parallel_loop3A_236 = arith.constant 4.000000e-04 : f32
        %parallel_loop3A_237 = vector.broadcast %parallel_loop3A_236 : f32 to vector<16xf32>
        %parallel_loop3A_238 = arith.cmpf olt, %parallel_loop3A_235, %parallel_loop3A_237 : vector<16xf32>
        %parallel_loop3A_239 = arith.constant 0.000000e+00 : f32
        %parallel_loop3A_240 = vector.broadcast %parallel_loop3A_239 : f32 to vector<16xf32>
        %parallel_loop3A_241 = arith.select %parallel_loop3A_238, %parallel_loop3A_240, %parallel_loop3A_235 : vector<16xi1>, vector<16xf32>
        %parallel_loop3A_242 = arith.index_cast %parallel_loop3A_232 : i32 to index
        %parallel_loop3A_243 = tpu.vector_load %arg12[%parallel_loop3A_242] {strides = array<i32>} : memref<2048xf32, #tpu.memory_space<vmem>>, vector<16xf32>,
        %parallel_loop3A_244 = arith.mulf %parallel_loop3A_243, %parallel_loop3A_241 : vector<16xf32>
        %parallel_loop3A_245 = arith.index_cast %parallel_loop3A_232 : i32 to index
        %parallel_loop3A_246 = tpu.vector_load %arg16[%parallel_loop3A_245] {strides = array<i32>} : memref<2048xf32, #tpu.memory_space<vmem>>, vector<16xf32>,
        tpu.vector_store %arg16[%parallel_loop3A_245], %parallel_loop3A_244 {strides = array<i32>} : memref<2048xf32, #tpu.memory_space<vmem>>, vector<16xf32>,
        %parallel_loop3A_247 = arith.index_cast %parallel_loop3A_232 : i32 to index
        %parallel_loop3A_248 = tpu.vector_load %arg14[%parallel_loop3A_247] {strides = array<i32>} : memref<2048xf32, #tpu.memory_space<vmem>>, vector<16xf32>,
        tpu.vector_store %arg14[%parallel_loop3A_247], %broadcast_in_dim3A_3 {strides = array<i32>} : memref<2048xf32, #tpu.memory_space<vmem>>, vector<16xf32>,
      } {sc.loop_unroll_factor = 8 : i64, sc.parallel_access}
      %dma_start3A_225 = arith.constant 0 : i32
      %dma_start3A_226 = tpu.memref_slice %arg6[%add3A_133, %dma_start3A_225] : memref<16384x2048xf32, #tpu.memory_space<hbm>> -> memref<1x2048xf32, #tpu.memory_space<hbm>>
      %dma_start3A_227 = tpu.memref_squeeze %dma_start3A_226 : memref<1x2048xf32, #tpu.memory_space<hbm>> -> memref<2048xf32, #tpu.memory_space<hbm>>
      %dma_start3A_228 = arith.constant 0 : i32
      %dma_start3A_229 = tpu.memref_slice %arg6[%add3A_133, %dma_start3A_228] : memref<16384x2048xf32, #tpu.memory_space<hbm>> -> memref<1x2048xf32, #tpu.memory_space<hbm>>
      %dma_start3A_230 = tpu.memref_squeeze %dma_start3A_229 : memref<1x2048xf32, #tpu.memory_space<hbm>> -> memref<2048xf32, #tpu.memory_space<hbm>>
      tpu.enqueue_dma source(%arg16 : memref<2048xf32, #tpu.memory_space<vmem>>) target(%dma_start3A_230 : memref<2048xf32, #tpu.memory_space<hbm>>) target_semaphore(%arg23 : memref<!tpu.dma_semaphore, #tpu.memory_space<semaphore_mem>>)
      %scan3A_231 = arith.constant 0 : i32
      scf.yield %scan3A_231 : i32
    }
    %scan3A_24 = arith.constant 256 : i32
    %add3A_25 = arith.constant 512 : i32
    %add3A_26 = arith.addi %mul3A_2, %add3A_25 : i32
    %sub3A = arith.constant 2 : i32
    %sub3A_27 = arith.subi %add3A_26, %sub3A : i32
    %dma_wait3A = arith.constant 0 : i32
    %dma_wait3A_28 = tpu.memref_slice %arg6[%sub3A_27, %dma_wait3A] : memref<16384x2048xf32, #tpu.memory_space<hbm>> -> memref<1x2048xf32, #tpu.memory_space<hbm>>
    %dma_wait3A_29 = tpu.memref_squeeze %dma_wait3A_28 : memref<1x2048xf32, #tpu.memory_space<hbm>> -> memref<2048xf32, #tpu.memory_space<hbm>>
    %dma_wait3A_30 = arith.constant 0 : i32
    %dma_wait3A_31 = tpu.memref_slice %arg6[%sub3A_27, %dma_wait3A_30] : memref<16384x2048xf32, #tpu.memory_space<hbm>> -> memref<1x2048xf32, #tpu.memory_space<hbm>>
    %dma_wait3A_32 = tpu.memref_squeeze %dma_wait3A_31 : memref<1x2048xf32, #tpu.memory_space<hbm>> -> memref<2048xf32, #tpu.memory_space<hbm>>
    tpu.wait_dma2 semaphore(%arg22 : memref<!tpu.dma_semaphore, #tpu.memory_space<semaphore_mem>>) src(%arg15 : memref<2048xf32, #tpu.memory_space<vmem>>) dst(%dma_wait3A_32 : memref<2048xf32, #tpu.memory_space<hbm>>)
    %add3A_33 = arith.constant 1 : i32
    %add3A_34 = arith.addi %sub3A_27, %add3A_33 : i32
    %dma_wait3A_35 = arith.constant 0 : i32
    %dma_wait3A_36 = tpu.memref_slice %arg6[%add3A_34, %dma_wait3A_35] : memref<16384x2048xf32, #tpu.memory_space<hbm>> -> memref<1x2048xf32, #tpu.memory_space<hbm>>
    %dma_wait3A_37 = tpu.memref_squeeze %dma_wait3A_36 : memref<1x2048xf32, #tpu.memory_space<hbm>> -> memref<2048xf32, #tpu.memory_space<hbm>>
    %dma_wait3A_38 = arith.constant 0 : i32
    %dma_wait3A_39 = tpu.memref_slice %arg6[%add3A_34, %dma_wait3A_38] : memref<16384x2048xf32, #tpu.memory_space<hbm>> -> memref<1x2048xf32, #tpu.memory_space<hbm>>
    %dma_wait3A_40 = tpu.memref_squeeze %dma_wait3A_39 : memref<1x2048xf32, #tpu.memory_space<hbm>> -> memref<2048xf32, #tpu.memory_space<hbm>>
    tpu.wait_dma2 semaphore(%arg23 : memref<!tpu.dma_semaphore, #tpu.memory_space<semaphore_mem>>) src(%arg16 : memref<2048xf32, #tpu.memory_space<vmem>>) dst(%dma_wait3A_40 : memref<2048xf32, #tpu.memory_space<hbm>>)
    return
  }
}

</mosaic_0001>

<sc_bundles>
// kernel: kernel.3.cloned.1.call-start
scs
__scs_entry_jumppad:
0x0: {  	(pc) =	sbr.rel $0x88, $3  }
0x1: {  	(tag) =	ssettag $0x0;
	lr =	simm.s32 $0x1  }
0x2: {  	[smem:$0x3F9E] =	sst lr;
	_ =	strace $0xD0000000  }
0x3: {  	_ = 	snop  }
0x4: {  	_ = 	snop  }
0x5: {  	_ = 	snop  }
0x6: {  	_ = 	snop  }
0x7: {  	_ = 	snop  }
__scs_overlays_trampoline_lowered:
0x8: {  	[smem:$0x3FAD] =	sst s0  }
0x9: {  	[smem:$0x3FAE] =	sst s1  }
0xa: {  	[smem:$0x3FAF] =	sst s2  }
0xb: {  	[smem:$0x3FB0] =	sst s3  }
0xc: {  	[smem:$0x3FB1] =	sst s4  }
0xd: {  	[smem:$0x3FB2] =	sst s5  }
0xe: {  	[smem:$0x3FB3] =	sst s6  }
0xf: {  	[smem:$0x3FB4] =	sst s7  }
0x10: {  	[smem:$0x3FB5] =	sst s8  }
0x11: {  	[smem:$0x3FB6] =	sst s9;
	s0 =	simm.s32 @!p0 $0x0  }
0x12: {  	s1 =	sld [smem:$0x3F9C];
	s0 =	simm.s32 @p0 $0x1  }
0x13: {  	[smem:$0x3FB7] =	sst s0;
	s0 =	simm.s32 @!p1 $0x0  }
0x14: {  	s2 =	sld [smem:$0x3F9B];
	s0 =	simm.s32 @p1 $0x1  }
0x15: {  	[smem:$0x3FB8] =	sst s0;
	s0 =	simm.s32 @!p2 $0x0  }
0x16: {  	s3 =	sld [smem:$0x3FDB];
	s0 =	simm.s32 @p2 $0x1  }
0x17: {  	s4 =	simm.s32 $0x1BF5;
	[smem:$0x3FBA] =	sst s0  }
0x18: {  	s0 =	sld [smem:$0x3F9D];
	_ =	swait.ge [sflag:s4], $0x0  }
0x19: {  	s7 =	sld [smem:$0x3F9E]  }
0x1a: {  	s8 =	sadd.s32 $0xFFFFE003, lr  }
0x1b: {  	s9 =	sadd.s32 $0xFFFFFEF7, lr;
	s5 =	simm.s32 $0xFFFFFFFF;
	p2 =	slt.u32 s8, $0xFFFFF086  }
0x1c: {  	p1 =	slt.u32 s9, $0xF7A;
	s5 =	simm.s32 @!p2 $0x0  }
0x1d: {  	s5 =	simm.s32 @p1 $0x1;
	p0 =	seq.s32 s7, s2  }
0x1e: {  	s7 =	smul.u32 @!p0 $0xF7A, s2;
	p2 =	seq.s32 @!p0 s5, $0x0  }
0x1f: {  	s9 =	smul.u32 $0xF7A, s1;
	s8 =	simm.s32 @!p0 $0x1BF5;
	p2 =	por !p2, p0  }
0x20: {  	[sflag:s8] =	ssyncset.s32 @!p0 $0xFFFFF086;
	s6 =	sadd.s32 @!p0 s3, s7;
	s7 =	simm.s32 @!p0 $0x108  }
0x21: {  	s3 =	sadd.s32 s3, s9;
	s6 =	sadd.s32 @!p0 $0x88, s6;
	s7 =	simm.s32 @p2 $0x1082  }
0x22: {  	[simem:s7], [sflag:s8] =	dma.local @!p0 [hbm:s6], $0xF7A  }
0x23: {  	s9 =	sor.u32 $0xD0000000, s2;
	s6 =	simm.s32 $0x108;
	_ =	swait.ge @!p0 [sflag:s8], $0x0  }
0x24: {  	s3 =	sadd.s32 $0x88, s3;
	s6 =	simm.s32 @!p1 $0x1082;
	[sflag:s4] =	ssyncset.s32 $0xFFFFF086  }
0x25: {  	[simem:s6], [sflag:s4] =	dma.local [hbm:s3], $0xF7A  }
0x26: {  	[smem:$0x3F9E] =	sst s1;
	(tag) =	ssettag s2;
	_ =	strace s9  }
0x27: {  	s1 =	sld [smem:$0x3FAE]  }
0x28: {  	s2 =	sld [smem:$0x3FAF]  }
0x29: {  	s4 =	sld [smem:$0x3FB1]  }
0x2a: {  	p0 =	seq.s32 s5, $0x0;
	s5 =	sld [smem:$0x3FB2]  }
0x2b: {  	s6 =	sld [smem:$0x3FB3]  }
0x2c: {  	s7 =	sld [smem:$0x3FB4]  }
0x2d: {  	s3 =	simm.s32 $0x108;
	s8 =	sld [smem:$0x3FB5]  }
0x2e: {  	s3 =	simm.s32 @!p0 $0x1082;
	s9 =	sld [smem:$0x3FB6]  }
0x2f: {  	lr =	sadd.s32 s0, s3;
	s0 =	sld [smem:$0x3FAD]  }
0x30: {  	s3 =	sld [smem:$0x3FB0]  }
0x31: {  	[smem:$0x3FB9] =	sst s10  }
0x32: {  	s10 =	sld [smem:$0x3FB7];
	_ =	sdelay $0x3  }
0x33: {  	p0 =	seq.s32 s10, $0x1;
	s10 =	sld [smem:$0x3FB9];
	_ =	sdelay $0x3  }
0x34: {  	[smem:$0x3FB9] =	sst s10  }
0x35: {  	s10 =	sld [smem:$0x3FB8];
	_ =	sdelay $0x3  }
0x36: {  	p1 =	seq.s32 s10, $0x1;
	s10 =	sld [smem:$0x3FB9];
	_ =	sdelay $0x3  }
0x37: {  	[smem:$0x3FB9] =	sst s10  }
0x38: {  	s10 =	sld [smem:$0x3FBA]  }
0x39: {  	_ = 	snop;
	(pc) =	sbr.ind lr, $3  }
0x3a: {  	_ = 	snop  }
0x3b: {  	_ = 	snop  }
0x3c: {  	p2 =	seq.s32 s10, $0x1;
	s10 =	sld [smem:$0x3FB9]  }
0x3d: {  	_ =	shalt  }
0x3e: {  	_ =	shalt  }
0x3f: {  	_ =	shalt  }
0x40: {  	_ =	shalt  }
0x41: {  	_ =	shalt  }
0x42: {  	_ =	shalt  }
0x43: {  	_ =	shalt  }
0x44: {  	_ =	shalt  }
0x45: {  	_ =	shalt  }
0x46: {  	_ =	shalt  }
0x47: {  	_ =	shalt  }
0x48: {  	_ =	shalt  }
0x49: {  	_ =	shalt  }
0x4a: {  	_ =	shalt  }
0x4b: {  	_ =	shalt  }
0x4c: {  	_ =	shalt  }
0x4d: {  	_ =	shalt  }
0x4e: {  	_ =	shalt  }
0x4f: {  	_ =	shalt  }
0x50: {  	_ =	shalt  }
0x51: {  	_ =	shalt  }
0x52: {  	_ =	shalt  }
0x53: {  	_ =	shalt  }
0x54: {  	_ =	shalt  }
0x55: {  	_ =	shalt  }
0x56: {  	_ =	shalt  }
0x57: {  	_ =	shalt  }
0x58: {  	_ =	shalt  }
0x59: {  	_ =	shalt  }
0x5a: {  	_ =	shalt  }
0x5b: {  	_ =	shalt  }
0x5c: {  	_ =	shalt  }
0x5d: {  	_ =	shalt  }
0x5e: {  	_ =	shalt  }
0x5f: {  	_ =	shalt  }
0x60: {  	_ =	shalt  }
0x61: {  	_ =	shalt  }
0x62: {  	_ =	shalt  }
0x63: {  	_ =	shalt  }
0x64: {  	_ =	shalt  }
0x65: {  	_ =	shalt  }
0x66: {  	_ =	shalt  }
0x67: {  	_ =	shalt  }
0x68: {  	_ =	shalt  }
0x69: {  	_ =	shalt  }
0x6a: {  	_ =	shalt  }
0x6b: {  	_ =	shalt  }
0x6c: {  	_ =	shalt  }
0x6d: {  	_ =	shalt  }
0x6e: {  	_ =	shalt  }
0x6f: {  	_ =	shalt  }
0x70: {  	_ =	shalt  }
0x71: {  	_ =	shalt  }
0x72: {  	_ =	shalt  }
0x73: {  	_ =	shalt  }
0x74: {  	_ =	shalt  }
0x75: {  	_ =	shalt  }
0x76: {  	_ =	shalt  }
0x77: {  	_ =	shalt  }
0x78: {  	_ =	shalt  }
0x79: {  	_ =	shalt  }
0x7a: {  	_ =	shalt  }
0x7b: {  	_ =	shalt  }
0x7c: {  	_ =	shalt  }
0x7d: {  	_ =	shalt  }
0x7e: {  	_ =	shalt  }
0x7f: {  	_ =	shalt  }
0x80: {  	_ =	shalt  }
0x81: {  	_ =	shalt  }
0x82: {  	_ =	shalt  }
0x83: {  	_ =	shalt  }
0x84: {  	_ =	shalt  }
0x85: {  	_ =	shalt  }
0x86: {  	_ =	shalt  }
0x87: {  	_ =	shalt  }
.Lfunc_end0:
.L_simem_size_0:
called_computation_lowered:
.L_overlay_start_0:
0x88: {  	s2 =	sld [smem:$0x3FD9]  }
0x89: {  	s3 =	sld [smem:$0x3FFE];
	_ =	sdelay $0x1  }
0x8a: {  	s1 =	srdreg.scid  }
0x8b: {  	s0 =	sand.u32 $0x1, s1  }
0x8c: {  	s17 =	sshll.u32 s0, $0xA;
	s2 =	sadd.s32 s3, s2  }
0x8d: {  	s2 =	sadd.s32 s2, s17  }
0x8e: {  	[smem:$0x3FC5] =	sst s2  }
0x8f: {  	_ = 	snop  }
0x90: {  	s2 =	sld [smem:$0x3FC8]  }
0x91: {  	s18 =	sld [smem:$0x3FC7]  }
0x92: {  	s4 =	sld [smem:$0x3FD0];
	(tm) =	ssettm $0x1  }
0x93: {  	s5 =	sld [smem:$0x3FFB];
	_ =	sdelay $0x3  }
0x94: {  	_ =	strace s5  }
0x95: {  	s5 =	sld [smem:$0x3FFC];
	_ =	sdelay $0x3  }
0x96: {  	_ =	strace s5  }
0x97: {  	s5 =	sld [smem:$0x3FFD];
	_ =	sdelay $0x3  }
0x98: {  	_ =	strace s5  }
0x99: {  	_ =	strace $0x8FFFFFFF  }
0x9a: {  	s19 =	sld [smem:$0x3FDB];
	_ =	sdelay $0x1  }
0x9b: {  	s6 =	simm.s32 $_scs_section_size  }
0x9c: {  	s7 =	simm.s32 $_size__tile_overlayer_lowered;
	s8 =	simm.s32 $_tile_overlayer_lowered  }
0x9d: {  	s22 =	simm.s32 $0x1BFF;
	s21 =	sshll.u32 s8, $0x1;
	s5 =	sadd.s32 s6, s19  }
0x9e: {  	s9 =	simm.s32 $0x0;
	s20 =	sshll.u32 s7, $0x1;
	s7 =	sadd.s32 s21, s5  }
0x9f: {  	[timem:s9], [sflag:s22] =	dma.local [hbm:s7], s20  }
0xa0: {  	_ =	swait.ge [sflag:s22], s20  }
0xa1: {  	s6 =	ssub.s32 $0x0, s20;
	[sflag:s22] =	ssyncset.done $0x0  }
0xa2: {  	[sflag:s22] =	ssyncadd.s32 s6;
	_ =	sdelay $0x1  }
0xa3: {  	s23 =	simm.s32 $0x1B8B  }
0xa4: {  	_ =	swait.ge [sflag:s23], $0x1  }
0xa5: {  	[sflag:s23] =	ssyncset.done $0x0  }
0xa6: {  	s25 =	simm.s32 $0x1B8E;
	s24 =	sld [smem:$0x3FFE];
	[sflag:s23] =	ssyncadd.s32 $0xFFFFFFFF  }
0xa7: {  	s26 =	simm.s32 $execute0_lowered;
	[smem:$0x3FD2] =	sst s25  }
0xa8: {  	s7 =	sshll.u32 s26, $0x1;
	_ =	strace $0x80000046;
	[dreg:$0x1] =	wrdreg $0xFFFFFFFF  }
0xa9: {  	s28 =	simm.s32 $_size_execute0_lowered;
	s5 =	sadd.s32 s5, s7;
	[dreg:$0x0] =	wrdreg $0x0  }
0xaa: {  	s7 =	sshll.u32 s28, $0x1;
	[dreg:$0x2] =	wrdreg s5  }
0xab: {  	[dreg:$0x3] =	wrdreg s7  }
0xac: {  	[dreg:$0x4] =	wrdreg $0xC0  }
0xad: {  	_ =	task [dreg:s9], $0x5FFFF  }
0xae: {  	[dreg:$0x1] =	wrdreg $0xFFFFFFFF  }
0xaf: {  	[dreg:$0x0] =	wrdreg $0x60  }
0xb0: {  	[dreg:$0x2] =	wrdreg s24  }
0xb1: {  	[dreg:$0x3] =	wrdreg s18  }
0xb2: {  	[dreg:$0x4] =	wrdreg s2  }
0xb3: {  	[dreg:$0x5] =	wrdreg s4  }
0xb4: {  	[dreg:$0x6] =	wrdreg $0x9  }
0xb5: {  	_ =	task.clear_ibuf [dreg:s9], $0x7FFFF;
	_ =	strace $0x90000046  }
0xb6: {  	s29 =	simm.s32 $0x9;
	_ =	strace $0x80000048  }
0xb7: {  	_ =	swait.ge [sflag:s29], $0x1  }
0xb8: {  	[sflag:s29] =	ssyncadd.s32 $0xFFFFFFFF  }
0xb9: {  	_ =	strace $0x90000048  }
0xba: {  	_ =	sfence  }
0xbb: {  	s30 =	sld [smem:$0x0];
	_ =	sdelay $0x2  }
0xbc: {  	s31 =	sshll.u32 s1, $0xD;
	s1 =	sshrl.u32 s1, $0x2  }
0xbd: {  	s3 =	sand.u32 $0x4000, s31;
	s1 =	sadd.s32 s1, s30  }
0xbe: {  	s0 =	sor.u32 s3, s0;
	s1 =	sshll.u32 s1, $0x11  }
0xbf: {  	s0 =	sor.u32 s1, s0  }
0xc0: {  	s0 =	sadd.s32 $0x8F2B, s0  }
0xc1: {  	[sflag:s0] =	ssyncadd.remote.s32 $0x1  }
0xc2: {  	_ =	sfence.sel $0xFFFF  }
0xc3: {  	[dreg:$0x0] =	wrdreg $0xFFFFFFFF;
	(pc) =	sbr.abs _section_cstart, $3  }
0xc4: {  	[dreg:$0x1] =	wrdreg $0xFFFFFFFF  }
0xc5: {  	_ =	task.clear_ibuf [dreg:s9], $0x2FFFF;
	_ =	strace $0x9FFFFFFF  }
0xc6: {  	(tm) =	ssettm $0x7FFFFFFF  }
0xc7: {  	_ =	shalt  }
tec
execute0_lowered:
.L_overlay_start_1:
0x0: {  	(tag) =	ssettag $0x1  }
0x1: {  	s8 =	rddreg [dreg:$0x0]  }
0x2: {  	s2 =	rddreg [dreg:$0x1]  }
0x3: {  	s3 =	rddreg [dreg:$0x2]  }
0x4: {  	s4 =	rddreg [dreg:$0x3];
	s1 =	simm.s32 $0x0;
	s0 =	srdreg.scid  }
0x5: {  	s5 =	stileid.u32;
	s12 =	simm.s32 $0x7;
	s14 =	simm.s32 $0x80  }
0x6: {  	s15 =	simm.s32 $0x400;
	s18 =	simm.s32 $0x1800;
	s19 =	simm.s32 $0x2800  }
0x7: {  	s20 =	simm.s32 $0x1;
	s21 =	simm.s32 $0x3;
	s22 =	simm.s32 $0x3800  }
0x8: {  	s28 =	simm.s32 $0x5;
	s29 =	simm.s32 $0x6;
	s30 =	simm.s32 $0x0  }
0x9: {  	[smem:$0x7FF] =	sst s1;
	s0 =	sand.u32 $0x1, s0;
	s5 =	sshll.u32 s5, $0xA  }
0xa: {  	s24 =	sadd.s32 $0x200, s8;
	s23 =	ssub.s32 $0x2, s0;
	s0 =	sshll.u32 s0, $0x9  }
0xb: {  	_ =	strace $0x80000047;
	[dreg:$0x5] =	wrdreg s24;
	s7 =	sor.u32 s0, s5  }
0xc: {  	s24 =	simm.s32 $0x2;
	s6 =	sshrl.u32 s23, $0x1;
	s26 =	sshll.u32 s7, $0x8  }
0xd: {  	s25 =	ssub.s32 s23, s6;
	s23 =	simm.s32 $0x4000;
	s31 =	sadd.s32 s2, s26  }
0xe: {  	s1 =	sadd.s32 s3, s26;
	s11 =	smax.u32 s25, $0x1;
	[dreg:$0x6] =	wrdreg s31  }
0xf: {  	v0 =	vimm.f32 $0.0e+00;
	v1 =	vimm.f32 $1.000000000e+00;
	s25 =	simm.s32 $0x4;
	s26 =	simm.s32 $0x4800;
	[dreg:$0x7] =	wrdreg s1  }
.LBB2_1:
0x10: {  	s0 =	rddreg [dreg:$0x0];
	s1 =	simm.s32 $0x0  }
0x11: {  	[tilespmem:s1], [sflag:$0x7] =	stream.linear.gather [hbm4b:s0+s1], $0x800, $0x38;
	[tilespmem:$0x5080] =	vst v63  }
0x12: {  	_ =	swait.ge [sflag:s12], $0x800  }
0x13: {  	[sflag:s12] =	ssyncset.done $0x0  }
0x14: {  	s5 =	simm.s32 $0x800;
	s31 =	rddreg [dreg:$0x5];
	[sflag:s12] =	ssyncadd.s32 $0xFFFFF800  }
0x15: {  	[tilespmem:s5], [sflag:$0x7] =	stream.linear.gather [hbm4b:s31+s1], $0x800, $0x38;
	[tilespmem:$0x5080] =	vst v63  }
0x16: {  	_ =	swait.ge [sflag:s12], $0x800  }
0x17: {  	[sflag:s12] =	ssyncset.done $0x0  }
0x18: {  	s0 =	simm.s32 $0x3840;
	[sflag:s12] =	ssyncadd.s32 $0xFFFFF800  }
0x19: {  	[tilespmem:s0+$0xFFFFFFC0] =	vst v0  }
0x1a: {  	[tilespmem:s0+$0x30] =	vst v0  }
0x1b: {  	[tilespmem:s0+$0x20] =	vst v0  }
0x1c: {  	[tilespmem:s0+$0x10] =	vst v0  }
0x1d: {  	[tilespmem:s0+$0x0] =	vst v0  }
0x1e: {  	[tilespmem:s0+$0xFFFFFFF0] =	vst v0  }
0x1f: {  	s1 =	simm.s32 $0x0;
	[tilespmem:s0+$0xFFFFFFE0] =	vst v0  }
.LBB2_2:
0x20: {  	s1 =	sadd.s32 $0x80, s1;
	[tilespmem:s0+$0xFFFFFFD0] =	vst v0;
	s0 =	sadd.s32 $0x80, s0  }
0x21: {  	[tilespmem:s0+$0xFFFFFFC0] =	vst v0;
	p0 =	slt.u32 s1, $0x780  }
0x22: {  	[tilespmem:s0+$0x30] =	vst v0  }
.Ltmp0:
0x23: {  	[tilespmem:s0+$0x20] =	vst v0;
	(pc) =	sbr.rel @p0 .LBB2_2-.Ltmp0, $4  }
0x24: {  	[tilespmem:s0+$0x10] =	vst v0  }
0x25: {  	[tilespmem:s0+$0x0] =	vst v0  }
0x26: {  	[tilespmem:s0+$0xFFFFFFF0] =	vst v0  }
0x27: {  	[tilespmem:s0+$0xFFFFFFE0] =	vst v0  }
0x28: {  	[tilespmem:s0+$0xFFFFFFD0] =	vst v0  }
0x29: {  	s1 =	simm.s32 $0x1000;
	s0 =	rddreg [dreg:$0x6]  }
0x2a: {  	[tilespmem:s1], [sflag:$0x1] =	stream.strided.gather [hbm4b:s0+s14], $0x800, s15, s14, $0x38;
	[tilespmem:$0x5080] =	vst v63  }
0x2b: {  	s17 =	simm.s32 $0x2000;
	s31 =	simm.s32 $0x0;
	s16 =	rddreg [dreg:$0x7]  }
0x2c: {  	[tilespmem:s17], [sflag:$0x3] =	stream.strided.gather [hbm4b:s16+s14], $0x800, s15, s14, $0x38;
	[tilespmem:$0x5080] =	vst v63  }
.LBB2_4:
0x2d: {  	s0 =	sshll.u32 s31, $0x1  }
0x2e: {  	s1 =	sadd.s32 s7, s0  }
0x2f: {  	s6 =	sshll.u32 s31, $0x5;
	s1 =	sshll.u32 s1, $0x8  }
0x30: {  	s13 =	sand.u32 $0x60, s6;
	s5 =	sand.u32 $0x3FF800, s1  }
0x31: {  	s1 =	sor.u32 s13, s5  }
0x32: {  	s1 =	sor.u32 $0x10, s1  }
0x33: {  	s16 =	sadd.s32 s2, s1  }
0x34: {  	[tilespmem:s18], [sflag:$0x2] =	stream.strided.gather [hbm4b:s16+s14], $0x800, s15, s14, $0x38;
	[tilespmem:$0x5080] =	vst v63  }
0x35: {  	s1 =	sadd.s32 s3, s1  }
0x36: {  	[tilespmem:s19], [sflag:$0x4] =	stream.strided.gather [hbm4b:s1+s14], $0x800, s15, s14, $0x38;
	[tilespmem:$0x5080] =	vst v63  }
0x37: {  	_ =	swait.ge [sflag:s20], $0x800  }
0x38: {  	[sflag:s20] =	ssyncset.done $0x0  }
0x39: {  	[sflag:s20] =	ssyncadd.s32 $0xFFFFF800  }
0x3a: {  	_ =	swait.ge [sflag:s21], $0x800  }
0x3b: {  	[sflag:s21] =	ssyncset.done $0x0  }
0x3c: {  	s17 =	simm.s32 $0x840;
	[sflag:s21] =	ssyncadd.s32 $0xFFFFF800  }
0x3d: {  	s16 =	simm.s32 $0x1040;
	v2 =	vld [tilespmem:s17+$0x30]  }
0x3e: {  	v3 =	vld [tilespmem:s16+$0x30]  }
0x3f: {  	v5 =	vld [tilespmem:s17+$0x20]  }
0x40: {  	v6 =	vld [tilespmem:s16+$0x20]  }
0x41: {  	v8 =	vld [tilespmem:s17+$0x10]  }
0x42: {  	v9 =	vld [tilespmem:s16+$0x10]  }
0x43: {  	v10 =	vld [tilespmem:s17+$0x0]  }
0x44: {  	s6 =	simm.s32 $0x40;
	v11 =	vld [tilespmem:s16+$0x0]  }
0x45: {  	v12 =	vld [tilespmem:s6+$0xFFFFFFD0]  }
0x46: {  	v13 =	vld [tilespmem:s17+$0xFFFFFFF0]  }
0x47: {  	v14 =	vld [tilespmem:s6+$0xFFFFFFC0]  }
0x48: {  	v15 =	vld [tilespmem:s17+$0xFFFFFFE0]  }
0x49: {  	v4 =	vld [tilespmem:s17+$0xFFFFFFD0]  }
0x4a: {  	v7 =	vld [tilespmem:s17+$0xFFFFFFC0]  }
0x4b: {  	v16 =	vld [tilespmem:s16+$0xFFFFFFC0]  }
0x4c: {  	v17 =	vld [tilespmem:s16+$0xFFFFFFD0]  }
0x4d: {  	v18 =	vld [tilespmem:s16+$0xFFFFFFE0]  }
0x4e: {  	v19 =	vld [tilespmem:s16+$0xFFFFFFF0]  }
0x4f: {  	v20 =	vld [tilespmem:s6+$0xFFFFFFE0]  }
0x50: {  	v21 =	vimm.f32 $+Inf;
	v16 =	vmul.f32 v16, v7;
	v7 =	vld [tilespmem:s6+$0xFFFFFFF0];
	v2 =	vmul.f32 v3, v2  }
0x51: {  	v22 =	vimm.f32 $-Inf;
	v17 =	vmul.f32 v17, v4;
	v4 =	vld [tilespmem:s6+$0x0];
	v3 =	vmul.f32 v6, v5  }
0x52: {  	v5 =	vld [tilespmem:s6+$0x10];
	v8 =	vmul.f32 v9, v8;
	v14 =	vadd.f32 v16, v14;
	v16 =	vmul.f32 v18, v15  }
0x53: {  	s1 =	simm.s32 $0x3040;
	v13 =	vmul.f32 v19, v13;
	v9 =	vld [tilespmem:s6+$0x20];
	v6 =	vadd.f32 v17, v12;
	v12 =	vmul.f32 v11, v10  }
0x54: {  	s8 =	simm.s32 $0x0;
	s9 =	simm.s32 $0x8C0;
	v10 =	vld [tilespmem:s6+$0x30];
	[tilespmem:s1+$0xFFFFFFC0] =	vst v14;
	v15 =	vmin.f32 v21, v14;
	v14 =	vmax.f32 v22, v14;
	v11 =	vadd.f32 v16, v20  }
.LBB2_5:
0x55: {  	v16 =	vld [tilespmem:s9+$0x30];
	[tilespmem:s1+$0xFFFFFFD0] =	vst v6;
	v15 =	vmin.f32 v15, v6;
	v6 =	vmax.f32 v14, v6;
	v7 =	vadd.f32 v13, v7;
	s16 =	sadd.s32 $0x80, s16  }
0x56: {  	v13 =	vld [tilespmem:s16+$0x30];
	[tilespmem:s1+$0xFFFFFFE0] =	vst v11;
	v14 =	vmin.f32 v15, v11;
	v6 =	vmax.f32 v6, v11;
	v4 =	vadd.f32 v12, v4  }
0x57: {  	v11 =	vld [tilespmem:s9+$0x20];
	[tilespmem:s1+$0xFFFFFFF0] =	vst v7;
	v12 =	vmin.f32 v14, v7;
	v6 =	vmax.f32 v6, v7;
	v5 =	vadd.f32 v8, v5  }
0x58: {  	v8 =	vld [tilespmem:s16+$0x20];
	[tilespmem:s1+$0x0] =	vst v4;
	v7 =	vmin.f32 v12, v4;
	v4 =	vmax.f32 v6, v4;
	v3 =	vadd.f32 v3, v9  }
0x59: {  	v6 =	vld [tilespmem:s9+$0x10];
	[tilespmem:s1+$0x10] =	vst v5;
	v7 =	vmin.f32 v7, v5;
	v4 =	vmax.f32 v4, v5;
	v2 =	vadd.f32 v2, v10  }
0x5a: {  	v9 =	vld [tilespmem:s16+$0x10];
	[tilespmem:s1+$0x20] =	vst v3;
	v5 =	vmin.f32 v7, v3;
	v3 =	vmax.f32 v4, v3  }
0x5b: {  	v10 =	vld [tilespmem:s9+$0x0];
	[tilespmem:s1+$0x30] =	vst v2;
	v14 =	vmin.f32 v5, v2;
	v17 =	vmax.f32 v3, v2  }
0x5c: {  	s6 =	sadd.s32 $0x80, s6;
	v12 =	vld [tilespmem:s16+$0x0]  }
0x5d: {  	v15 =	vld [tilespmem:s6+$0xFFFFFFD0]  }
0x5e: {  	v18 =	vld [tilespmem:s9+$0xFFFFFFF0]  }
0x5f: {  	v5 =	vld [tilespmem:s6+$0xFFFFFFC0]  }
0x60: {  	v19 =	vld [tilespmem:s9+$0xFFFFFFE0]  }
0x61: {  	v3 =	vld [tilespmem:s9+$0xFFFFFFD0]  }
0x62: {  	v2 =	vld [tilespmem:s9+$0xFFFFFFC0]  }
0x63: {  	s8 =	sadd.s32 $0x80, s8;
	v4 =	vld [tilespmem:s16+$0xFFFFFFC0]  }
0x64: {  	p0 =	slt.u32 s8, $0x780;
	v20 =	vld [tilespmem:s16+$0xFFFFFFD0]  }
0x65: {  	v21 =	vld [tilespmem:s16+$0xFFFFFFE0]  }
0x66: {  	v22 =	vld [tilespmem:s16+$0xFFFFFFF0]  }
0x67: {  	v23 =	vld [tilespmem:s6+$0xFFFFFFE0]  }
.Ltmp1:
0x68: {  	v24 =	vmul.f32 v4, v2;
	v7 =	vld [tilespmem:s6+$0xFFFFFFF0];
	v2 =	vmul.f32 v13, v16;
	(pc) =	sbr.rel @p0 .LBB2_5-.Ltmp1, $4  }
0x69: {  	v13 =	vmul.f32 v20, v3;
	v4 =	vld [tilespmem:s6+$0x0];
	v3 =	vmul.f32 v8, v11  }
0x6a: {  	v8 =	vmul.f32 v9, v6;
	v11 =	vadd.f32 v24, v5;
	v16 =	vmul.f32 v21, v19;
	v5 =	vld [tilespmem:s6+$0x10]  }
0x6b: {  	s1 =	sadd.s32 $0x80, s1;
	v12 =	vmul.f32 v12, v10;
	v6 =	vadd.f32 v13, v15;
	v13 =	vmul.f32 v22, v18;
	v9 =	vld [tilespmem:s6+$0x20]  }
0x6c: {  	s9 =	sadd.s32 $0x80, s9;
	[tilespmem:s1+$0xFFFFFFC0] =	vst v11;
	v15 =	vmin.f32 v14, v11;
	v14 =	vmax.f32 v17, v11;
	v11 =	vadd.f32 v16, v23;
	v10 =	vld [tilespmem:s6+$0x30]  }
0x6d: {  	v15 =	vmin.f32 v15, v6;
	v7 =	vadd.f32 v13, v7  }
0x6e: {  	v13 =	vmax.f32 v14, v6;
	v14 =	vmin.f32 v15, v11;
	v4 =	vadd.f32 v12, v4  }
0x6f: {  	v12 =	vmax.f32 v13, v11;
	v13 =	vmin.f32 v14, v7;
	v5 =	vadd.f32 v8, v5  }
0x70: {  	v8 =	vmax.f32 v12, v7;
	v12 =	vmin.f32 v13, v4;
	v3 =	vadd.f32 v3, v9  }
0x71: {  	v8 =	vmax.f32 v8, v4;
	v9 =	vmin.f32 v12, v5;
	v2 =	vadd.f32 v2, v10  }
0x72: {  	v8 =	vmax.f32 v8, v5;
	v9 =	vmin.f32 v9, v3  }
0x73: {  	v8 =	vmax.f32 v8, v3;
	v9 =	vmin.f32 v9, v2  }
0x74: {  	v8 =	vmax.f32 v8, v2;
	(xrf0) =	vmin.scan.msk.f32 $0xffff, v9  }
0x75: {  	(xrf0) =	vmax.scan.msk.f32 $0xffff, v8;
	_ =	sdelay $0x3  }
0x76: {  	[tilespmem:s1+$0xFFFFFFD0] =	vst v6  }
0x77: {  	[tilespmem:s1+$0xFFFFFFE0] =	vst v11;
	v8, _, _ =	vpop (xrf0)  }
0x78: {  	[tilespmem:s1+$0xFFFFFFF0] =	vst v7;
	v9, _, _ =	vpop (xrf0)  }
0x79: {  	[tilespmem:s1+$0x0] =	vst v4;
	v9 =	vsub.f32 v9, v8  }
0x7a: {  	[tilespmem:s1+$0x10] =	vst v5  }
0x7b: {  	[tilespmem:s1+$0x20] =	vst v3;
	v9 =	vmul.f32 $4.882812500e-04, v9  }
0x7c: {  	s17 =	simm.s32 $0x3080;
	[tilespmem:s1+$0x30] =	vst v2  }
0x7d: {  	v3 =	vld [tilespmem:s17+$0x70];
	v6 =	vbroadcast v9, $0xF  }
0x7e: {  	v5 =	vld [tilespmem:s17+$0xFFFFFFA0]  }
0x7f: {  	v7 =	vld [tilespmem:s17+$0xFFFFFFC0];
	vm0 =	veq.f32 v6, $0.0e+00  }
0x80: {  	v10 =	vld [tilespmem:s17+$0xFFFFFFE0];
	v4 =	vsel vm0, $0x3F800000, v6  }
0x81: {  	v11 =	vld [tilespmem:s17+$0xFFFFFFF0];
	(erf) = vrcp.f32 v4  }
0x82: {  	v12 =	vld [tilespmem:s17+$0x0]  }
0x83: {  	v13 =	vld [tilespmem:s17+$0x10]  }
0x84: {  	v14 =	vld [tilespmem:s17+$0x20]  }
0x85: {  	v2 =	vbroadcast v8, $0xF;
	v4 =	vld [tilespmem:s17+$0xFFFFFF90]  }
0x86: {  	v6 =	vld [tilespmem:s17+$0xFFFFFFB0]  }
0x87: {  	v8 =	vld [tilespmem:s17+$0xFFFFFFD0];
	v5 =	vsub.f32 v5, v2;
	v7 =	vsub.f32 v7, v2  }
0x88: {  	v15 =	vld [tilespmem:s17+$0x30];
	v10 =	vsub.f32 v10, v2;
	v11 =	vsub.f32 v11, v2  }
0x89: {  	v16 =	vld [tilespmem:s17+$0x40];
	v12 =	vsub.f32 v12, v2;
	v9 =	vsub.f32 v3, v2  }
0x8a: {  	v17 =	vld [tilespmem:s17+$0x50];
	v13 =	vsub.f32 v13, v2;
	v4 =	vsub.f32 v4, v2;
	v3 =	vpop (erf)  }
0x8b: {  	v18 =	vld [tilespmem:s17+$0x60];
	v14 =	vsub.f32 v14, v2;
	v6 =	vsub.f32 v6, v2;
	v9 =	vmul.f32 v9, v3  }
0x8c: {  	v19 =	vld [tilespmem:s17+$0xFFFFFF80];
	v8 =	vsub.f32 v8, v2;
	v4 =	vmul.f32 v4, v3;
	v5 =	vmul.f32 v5, v3  }
0x8d: {  	v15 =	vsub.f32 v15, v2;
	v6 =	vmul.f32 v6, v3;
	v7 =	vmul.f32 v7, v3  }
0x8e: {  	v16 =	vsub.f32 v16, v2;
	v8 =	vmul.f32 v8, v3;
	v10 =	vmul.f32 v10, v3  }
0x8f: {  	v17 =	vsub.f32 v17, v2;
	v11 =	vmul.f32 v11, v3;
	v12 =	vmul.f32 v12, v3  }
0x90: {  	v18 =	vsub.f32 v18, v2;
	v13 =	vmul.f32 v13, v3;
	v14 =	vmul.f32 v14, v3  }
0x91: {  	v19 =	vsub.f32 v19, v2;
	v15 =	vmul.f32 v15, v3;
	v16 =	vmul.f32 v16, v3  }
0x92: {  	v17 =	vmul.f32 v17, v3;
	v18 =	vmul.f32 v18, v3  }
0x93: {  	v19 =	vmul.f32 v19, v3;
	v9 =	vtrunc.f32 v9  }
0x94: {  	v4 =	vtrunc.f32 v4;
	v5 =	vtrunc.f32 v5  }
0x95: {  	v6 =	vtrunc.f32 v6;
	v7 =	vtrunc.f32 v7  }
0x96: {  	v8 =	vtrunc.f32 v8;
	v10 =	vtrunc.f32 v10  }
0x97: {  	v11 =	vtrunc.f32 v11;
	v12 =	vtrunc.f32 v12  }
0x98: {  	v13 =	vtrunc.f32 v13;
	v14 =	vtrunc.f32 v14  }
0x99: {  	v15 =	vtrunc.f32 v15;
	v19 =	vtrunc.f32 v19  }
0x9a: {  	v16 =	vtrunc.f32 v16;
	v17 =	vtrunc.f32 v17  }
0x9b: {  	v18 =	vtrunc.f32 v18;
	v9 =	vcvt.f32.s32 v9  }
0x9c: {  	v19 =	vcvt.f32.s32 v19;
	v4 =	vcvt.f32.s32 v4  }
0x9d: {  	v5 =	vcvt.f32.s32 v5;
	v6 =	vcvt.f32.s32 v6  }
0x9e: {  	v7 =	vcvt.f32.s32 v7;
	v8 =	vcvt.f32.s32 v8  }
0x9f: {  	v10 =	vcvt.f32.s32 v10;
	v11 =	vcvt.f32.s32 v11  }
0xa0: {  	v12 =	vcvt.f32.s32 v12;
	v13 =	vcvt.f32.s32 v13  }
0xa1: {  	v14 =	vcvt.f32.s32 v14;
	v15 =	vcvt.f32.s32 v15  }
0xa2: {  	v16 =	vcvt.f32.s32 v16;
	v17 =	vcvt.f32.s32 v17  }
0xa3: {  	v18 =	vcvt.f32.s32 v18;
	vm14 =	vgt.s32 v9, $0x0;
	vm0 =	vgt.s32 v19, $0x0  }
0xa4: {  	vm1 =	vgt.s32 v4, $0x0;
	vm2 =	vgt.s32 v5, $0x0;
	vm3 =	vgt.s32 v6, $0x0  }
0xa5: {  	s17 =	simm.s32 $0x3180;
	vm4 =	vgt.s32 v7, $0x0;
	vm5 =	vgt.s32 v8, $0x0;
	vm6 =	vgt.s32 v10, $0x0  }
0xa6: {  	v20 =	vld [tilespmem:s17+$0xFFFFFF90];
	vm7 =	vgt.s32 v11, $0x0;
	vm8 =	vgt.s32 v12, $0x0;
	vm9 =	vgt.s32 v13, $0x0  }
0xa7: {  	v21 =	vld [tilespmem:s17+$0xFFFFFFA0];
	vm10 =	vgt.s32 v14, $0x0;
	vm11 =	vgt.s32 v15, $0x0;
	vm12 =	vgt.s32 v16, $0x0  }
0xa8: {  	v29 =	vld [tilespmem:s17+$0x20];
	vm13 =	vgt.s32 v18, $0x0;
	v9 =	vnsel vm14, $0x0, v9;
	v19 =	vnsel vm0, $0x0, v19  }
0xa9: {  	v36 =	vld [tilespmem:s17+$0xFFFFFF80];
	vm0 =	vgt.s32 v17, $0x0;
	v4 =	vnsel vm1, $0x0, v4;
	v5 =	vnsel vm2, $0x0, v5  }
0xaa: {  	v6 =	vnsel vm3, $0x0, v6;
	v7 =	vnsel vm4, $0x0, v7;
	v22 =	vnsel vm12, $0x0, v16;
	v16 =	vld [tilespmem:s17+$0xFFFFFFB0]  }
0xab: {  	v8 =	vnsel vm5, $0x0, v8;
	v9 =	vmin.u32 v9, $0x7FF;
	v23 =	vnsel vm0, $0x0, v17;
	v17 =	vld [tilespmem:s17+$0xFFFFFFC0]  }
0xac: {  	v10 =	vnsel vm6, $0x0, v10;
	v24 =	vnsel vm13, $0x0, v18;
	v18 =	vmin.u32 v5, $0x7FF;
	v5 =	vld [tilespmem:s17+$0xFFFFFFD0]  }
0xad: {  	v12 =	vnsel vm8, $0x0, v12;
	v19 =	vmin.u32 v19, $0x7FF;
	v27 =	vmin.u32 v8, $0x7FF;
	v8 =	vld [tilespmem:s17+$0xFFFFFFE0]  }
0xae: {  	v26 =	vmin.u32 v7, $0x7FF;
	v7 =	vsub.f32 v20, v2;
	v20 =	vmin.u32 v10, $0x7FF;
	v10 =	vld [tilespmem:s17+$0xFFFFFFF0]  }
0xaf: {  	v25 =	vmin.u32 v6, $0x7FF;
	v28 =	vmin.u32 v12, $0x7FF;
	v12 =	vsub.f32 v16, v2;
	v16 =	vld [tilespmem:s17+$0x0]  }
0xb0: {  	v11 =	vnsel vm7, $0x0, v11;
	v13 =	vnsel vm9, $0x0, v13;
	v14 =	vnsel vm10, $0x0, v14;
	[tilespmem:v9+s22+$0x0] =	vst.idx.add.f32.msk $0xffff, v1  }
0xb1: {  	v15 =	vnsel vm11, $0x0, v15;
	v4 =	vmin.u32 v4, $0x7FF;
	v7 =	vmul.f32 v7, v3;
	v9 =	vld [tilespmem:s17+$0x70]  }
0xb2: {  	v11 =	vmin.u32 v11, $0x7FF;
	v17 =	vsub.f32 v17, v2;
	v5 =	vsub.f32 v5, v2;
	[tilespmem:v19+s22+$0x0] =	vst.idx.add.f32.msk $0xffff, v1  }
0xb3: {  	v30 =	vtrunc.f32 v7;
	v8 =	vsub.f32 v8, v2;
	[tilespmem:v18+s22+$0x0] =	vst.idx.add.f32.msk $0xffff, v1;
	v19 =	vsub.f32 v36, v2  }
0xb4: {  	[tilespmem:v25+s22+$0x0] =	vst.idx.add.f32.msk $0xffff, v1;
	v25 =	vmin.u32 v13, $0x7FF;
	v18 =	vmin.u32 v14, $0x7FF;
	v12 =	vmul.f32 v12, v3  }
0xb5: {  	v7 =	vmul.f32 v17, v3;
	v31 =	vmul.f32 v5, v3;
	v5 =	vsub.f32 v10, v2;
	v10 =	vld [tilespmem:s17+$0x40]  }
0xb6: {  	v17 =	vld [tilespmem:s17+$0x30];
	v32 =	vmul.f32 v8, v3;
	v6 =	vsub.f32 v9, v2;
	v9 =	vsub.f32 v21, v2  }
0xb7: {  	v14 =	vmul.f32 v19, v3;
	v8 =	vsub.f32 v16, v2;
	v33 =	vmul.f32 v5, v3;
	v21 =	vld [tilespmem:s17+$0x10]  }
0xb8: {  	v19 =	vmin.u32 v15, $0x7FF;
	v6 =	vmul.f32 v6, v3;
	v9 =	vmul.f32 v9, v3  }
0xb9: {  	v7 =	vtrunc.f32 v7;
	v37 =	vmul.f32 v8, v3;
	v8 =	vsub.f32 v29, v2  }
0xba: {  	v16 =	vld [tilespmem:s17+$0x50];
	v10 =	vsub.f32 v10, v2;
	v6 =	vtrunc.f32 v6;
	v5 =	vtrunc.f32 v9  }
0xbb: {  	v34 =	vld [tilespmem:s17+$0x60];
	v9 =	vsub.f32 v17, v2;
	v17 =	vmul.f32 v8, v3;
	v6 =	vcvt.f32.s32 v6  }
0xbc: {  	v8 =	vtrunc.f32 v31;
	v61 =	vmul.f32 v10, v3;
	v21 =	vsub.f32 v21, v2  }
0xbd: {  	[tilespmem:v4+s22+$0x0] =	vst.idx.add.f32.msk $0xffff, v1;
	v10 =	vtrunc.f32 v33;
	v4 =	vmul.f32 v9, v3;
	vm15 =	vgt.s32 v6, $0x0  }
0xbe: {  	v9 =	vtrunc.f32 v32;
	v21 =	vmul.f32 v21, v3;
	v6 =	vnsel vm15, $0x0, v6  }
0xbf: {  	[tilespmem:v26+s22+$0x0] =	vst.idx.add.f32.msk $0xffff, v1;
	v35 =	vmin.u32 v6, $0x7FF;
	v6 =	vtrunc.f32 v12;
	v12 =	vsub.f32 v16, v2  }
0xc0: {  	[tilespmem:v27+s22+$0x0] =	vst.idx.add.f32.msk $0xffff, v1;
	v15 =	vtrunc.f32 v17;
	v17 =	vtrunc.f32 v61;
	v16 =	vsub.f32 v34, v2  }
0xc1: {  	[tilespmem:v20+s22+$0x0] =	vst.idx.add.f32.msk $0xffff, v1;
	v13 =	vtrunc.f32 v21;
	v62 =	vmul.f32 v12, v3  }
0xc2: {  	v20 =	vmin.u32 v22, $0x7FF;
	[tilespmem:v11+s22+$0x0] =	vst.idx.add.f32.msk $0xffff, v1;
	v12 =	vtrunc.f32 v37;
	v63 =	vmul.f32 v16, v3  }
0xc3: {  	[tilespmem:v28+s22+$0x0] =	vst.idx.add.f32.msk $0xffff, v1;
	v22 =	vmin.u32 v24, $0x7FF;
	v16 =	vtrunc.f32 v4;
	v4 =	vtrunc.f32 v14  }
0xc4: {  	[tilespmem:v25+s22+$0x0] =	vst.idx.add.f32.msk $0xffff, v1;
	v21 =	vmin.u32 v23, $0x7FF;
	v14 =	vcvt.f32.s32 v30;
	v24 =	vcvt.f32.s32 v4  }
0xc5: {  	s1 =	simm.s32 $0x100;
	v23 =	vtrunc.f32 v62;
	v11 =	vtrunc.f32 v63;
	[tilespmem:v35+s22+$0x0] =	vst.idx.add.f32.msk $0xffff, v1  }
.LBB2_7:
0xc6: {  	v4 =	vimm.f32 $0.0e+00;
	v5 =	vcvt.f32.s32 v5;
	v6 =	vcvt.f32.s32 v6;
	[tilespmem:v18+s22+$0x0] =	vst.idx.add.f32.msk $0xffff, v1  }
0xc7: {  	v7 =	vcvt.f32.s32 v7;
	v8 =	vcvt.f32.s32 v8;
	vm0 =	vgt.s32 v24, $0x0;
	[tilespmem:v19+s22+$0x0] =	vst.idx.add.f32.msk $0xffff, v1  }
0xc8: {  	v9 =	vcvt.f32.s32 v9;
	v10 =	vcvt.f32.s32 v10;
	vm1 =	vgt.s32 v14, $0x0;
	[tilespmem:v20+s22+$0x0] =	vst.idx.add.f32.msk $0xffff, v1  }
0xc9: {  	v12 =	vcvt.f32.s32 v12;
	v13 =	vcvt.f32.s32 v13;
	vm2 =	vgt.s32 v5, $0x0;
	[tilespmem:v21+s22+$0x0] =	vst.idx.add.f32.msk $0xffff, v1  }
0xca: {  	v15 =	vcvt.f32.s32 v15;
	v16 =	vcvt.f32.s32 v16;
	vm3 =	vgt.s32 v6, $0x0;
	[tilespmem:v22+s22+$0x0] =	vst.idx.add.f32.msk $0xffff, v1  }
0xcb: {  	v17 =	vcvt.f32.s32 v17;
	v18 =	vcvt.f32.s32 v23;
	vm4 =	vgt.s32 v7, $0x0  }
0xcc: {  	v11 =	vcvt.f32.s32 v11;
	vm5 =	vgt.s32 v8, $0x0;
	vm6 =	vgt.s32 v9, $0x0  }
0xcd: {  	vm7 =	vgt.s32 v10, $0x0;
	vm8 =	vgt.s32 v12, $0x0;
	vm9 =	vgt.s32 v13, $0x0  }
0xce: {  	vm10 =	vgt.s32 v15, $0x0;
	vm11 =	vgt.s32 v16, $0x0;
	vm12 =	vgt.s32 v17, $0x0  }
0xcf: {  	v19 =	vnsel vm0, $0x0, v24;
	vm0 =	vgt.s32 v18, $0x0;
	vm13 =	vgt.s32 v11, $0x0  }
0xd0: {  	s17 =	sadd.s32 $0x100, s17;
	v14 =	vnsel vm1, $0x0, v14;
	v5 =	vnsel vm2, $0x0, v5;
	v6 =	vnsel vm3, $0x0, v6  }
0xd1: {  	s1 =	sadd.s32 $0x100, s1;
	v7 =	vnsel vm4, $0x0, v7;
	v8 =	vnsel vm5, $0x0, v8;
	v9 =	vnsel vm6, $0x0, v9;
	v20 =	vld [tilespmem:s17+$0x70]  }
0xd2: {  	p0 =	slt.u32 s1, $0x700;
	v10 =	vnsel vm7, $0x0, v10;
	v12 =	vnsel vm8, $0x0, v12;
	v13 =	vnsel vm9, $0x0, v13;
	v21 =	vld [tilespmem:s17+$0xFFFFFF90]  }
0xd3: {  	v15 =	vnsel vm10, $0x0, v15;
	v16 =	vnsel vm11, $0x0, v16;
	v17 =	vnsel vm12, $0x0, v17;
	v22 =	vld [tilespmem:s17+$0xFFFFFFA0]  }
0xd4: {  	v19 =	vmin.u32 v19, $0x7FF;
	v24 =	vnsel vm0, $0x0, v18;
	v25 =	vnsel vm13, $0x0, v11;
	v23 =	vld [tilespmem:s17+$0xFFFFFFB0]  }
0xd5: {  	v14 =	vmin.u32 v14, $0x7FF;
	v18 =	vmin.u32 v5, $0x7FF;
	v26 =	vmin.u32 v6, $0x7FF;
	v11 =	vld [tilespmem:s17+$0xFFFFFFC0]  }
0xd6: {  	v27 =	vmin.u32 v8, $0x7FF;
	v5 =	vld [tilespmem:s17+$0xFFFFFFD0];
	v6 =	vsub.f32 v20, v2;
	v20 =	vmin.u32 v7, $0x7FF  }
0xd7: {  	v28 =	vmin.u32 v10, $0x7FF;
	v7 =	vsub.f32 v21, v2;
	v8 =	vld [tilespmem:s17+$0xFFFFFFE0];
	v21 =	vmin.u32 v9, $0x7FF  }
0xd8: {  	v9 =	vsub.f32 v22, v2;
	v10 =	vld [tilespmem:s17+$0xFFFFFFF0];
	v6 =	vmul.f32 v6, v3;
	v22 =	vmin.u32 v12, $0x7FF  }
0xd9: {  	v29 =	vmin.u32 v13, $0x7FF;
	v7 =	vmul.f32 v7, v3;
	v12 =	vsub.f32 v23, v2;
	v23 =	vld [tilespmem:s17+$0x0]  }
0xda: {  	v9 =	vmul.f32 v9, v3;
	v11 =	vsub.f32 v11, v2;
	v13 =	vld [tilespmem:s17+$0x10];
	v6 =	vtrunc.f32 v6  }
0xdb: {  	v12 =	vmul.f32 v12, v3;
	v5 =	vsub.f32 v5, v2;
	v30 =	vld [tilespmem:s17+$0x20];
	v6 =	vcvt.f32.s32 v6  }
0xdc: {  	v31 =	vtrunc.f32 v7;
	v7 =	vmul.f32 v11, v3;
	v8 =	vsub.f32 v8, v2;
	v11 =	vld [tilespmem:s17+$0x30]  }
0xdd: {  	v32 =	vmul.f32 v5, v3;
	v5 =	vsub.f32 v10, v2;
	v10 =	vld [tilespmem:s17+$0x40];
	vm0 =	vgt.s32 v6, $0x0  }
0xde: {  	v33 =	vmul.f32 v8, v3;
	v8 =	vsub.f32 v23, v2;
	v23 =	vld [tilespmem:s17+$0x50];
	v6 =	vnsel vm0, $0x0, v6  }
0xdf: {  	v34 =	vmul.f32 v5, v3;
	v13 =	vsub.f32 v13, v2;
	v35 =	vld [tilespmem:s17+$0x60];
	v36 =	vmin.u32 v6, $0x7FF  }
0xe0: {  	v5 =	vtrunc.f32 v9;
	v37 =	vld [tilespmem:s17+$0xFFFFFF80];
	v38 =	vmul.f32 v8, v3;
	v8 =	vsub.f32 v30, v2  }
0xe1: {  	v6 =	vtrunc.f32 v12;
	v13 =	vmul.f32 v13, v3;
	v9 =	vsub.f32 v11, v2;
	[tilespmem:v19+s22+$0x0] =	vst.idx.add.f32.msk $0xffff, v1  }
0xe2: {  	v7 =	vtrunc.f32 v7;
	v11 =	vmul.f32 v8, v3;
	v10 =	vsub.f32 v10, v2;
	[tilespmem:v14+s22+$0x0] =	vst.idx.add.f32.msk $0xffff, v1  }
0xe3: {  	v8 =	vtrunc.f32 v32;
	v14 =	vmul.f32 v9, v3;
	v12 =	vsub.f32 v23, v2;
	[tilespmem:v18+s22+$0x0] =	vst.idx.add.f32.msk $0xffff, v1  }
0xe4: {  	s6 =	simm.s32 $0x3840;
	s16 =	simm.s32 $0x3040;
	v9 =	vtrunc.f32 v33;
	v23 =	vmul.f32 v10, v3;
	v18 =	vsub.f32 v35, v2;
	[tilespmem:v36+s22+$0x0] =	vst.idx.add.f32.msk $0xffff, v1  }
0xe5: {  	v10 =	vtrunc.f32 v34;
	v19 =	vsub.f32 v37, v2;
	v30 =	vmul.f32 v12, v3;
	[tilespmem:v26+s22+$0x0] =	vst.idx.add.f32.msk $0xffff, v1  }
0xe6: {  	v12 =	vtrunc.f32 v38;
	v26 =	vmul.f32 v18, v3;
	[tilespmem:v20+s22+$0x0] =	vst.idx.add.f32.msk $0xffff, v1;
	v18 =	vmin.u32 v15, $0x7FF  }
.Ltmp2:
0xe7: {  	v13 =	vtrunc.f32 v13;
	v32 =	vmul.f32 v19, v3;
	[tilespmem:v27+s22+$0x0] =	vst.idx.add.f32.msk $0xffff, v1;
	v19 =	vmin.u32 v16, $0x7FF;
	(pc) =	sbr.rel @p0 .LBB2_7-.Ltmp2, $4  }
0xe8: {  	v15 =	vtrunc.f32 v11;
	v20 =	vmin.u32 v17, $0x7FF;
	v16 =	vtrunc.f32 v14;
	[tilespmem:v21+s22+$0x0] =	vst.idx.add.f32.msk $0xffff, v1  }
0xe9: {  	v17 =	vtrunc.f32 v23;
	v21 =	vmin.u32 v24, $0x7FF;
	v14 =	vtrunc.f32 v32;
	[tilespmem:v28+s22+$0x0] =	vst.idx.add.f32.msk $0xffff, v1  }
0xea: {  	v23 =	vtrunc.f32 v30;
	v11 =	vtrunc.f32 v26;
	[tilespmem:v22+s22+$0x0] =	vst.idx.add.f32.msk $0xffff, v1;
	v22 =	vmin.u32 v25, $0x7FF  }
0xeb: {  	v24 =	vcvt.f32.s32 v14;
	v14 =	vcvt.f32.s32 v31;
	[tilespmem:v29+s22+$0x0] =	vst.idx.add.f32.msk $0xffff, v1  }
0xec: {  	v2 =	vcvt.f32.s32 v5;
	v3 =	vcvt.f32.s32 v6  }
0xed: {  	v5 =	vcvt.f32.s32 v7;
	v6 =	vcvt.f32.s32 v8  }
0xee: {  	v7 =	vcvt.f32.s32 v9;
	v8 =	vcvt.f32.s32 v10  }
0xef: {  	v9 =	vcvt.f32.s32 v12;
	v10 =	vcvt.f32.s32 v13  }
0xf0: {  	v58 =	vcvt.f32.s32 v15;
	v59 =	vcvt.f32.s32 v16  }
0xf1: {  	v61 =	vcvt.f32.s32 v17;
	v62 =	vcvt.f32.s32 v23;
	vm0 =	vgt.s32 v24, $0x0  }
0xf2: {  	v11 =	vcvt.f32.s32 v11;
	vm1 =	vgt.s32 v14, $0x0;
	v60 =	vnsel vm0, $0x0, v24  }
0xf3: {  	[tilespmem:v18+s22+$0x0] =	vst.idx.add.f32.msk $0xffff, v1;
	vm2 =	vgt.s32 v2, $0x0;
	v14 =	vnsel vm1, $0x0, v14;
	v15 =	vmin.u32 v60, $0x7FF  }
0xf4: {  	[tilespmem:v19+s22+$0x0] =	vst.idx.add.f32.msk $0xffff, v1;
	vm3 =	vgt.s32 v3, $0x0;
	v2 =	vnsel vm2, $0x0, v2;
	v14 =	vmin.u32 v14, $0x7FF  }
0xf5: {  	[tilespmem:v20+s22+$0x0] =	vst.idx.add.f32.msk $0xffff, v1;
	vm4 =	vgt.s32 v5, $0x0;
	v3 =	vnsel vm3, $0x0, v3;
	v2 =	vmin.u32 v2, $0x7FF  }
0xf6: {  	[tilespmem:v21+s22+$0x0] =	vst.idx.add.f32.msk $0xffff, v1;
	vm6 =	vgt.s32 v6, $0x0;
	v5 =	vnsel vm4, $0x0, v5;
	v3 =	vmin.u32 v3, $0x7FF  }
0xf7: {  	[tilespmem:v22+s22+$0x0] =	vst.idx.add.f32.msk $0xffff, v1;
	vm7 =	vgt.s32 v7, $0x0;
	v6 =	vnsel vm6, $0x0, v6;
	v5 =	vmin.u32 v5, $0x7FF  }
0xf8: {  	vm8 =	vgt.s32 v8, $0x0;
	v7 =	vnsel vm7, $0x0, v7;
	v6 =	vmin.u32 v6, $0x7FF;
	[tilespmem:v15+s22+$0x0] =	vst.idx.add.f32.msk $0xffff, v1  }
0xf9: {  	vm9 =	vgt.s32 v9, $0x0;
	v8 =	vnsel vm8, $0x0, v8;
	v7 =	vmin.u32 v7, $0x7FF;
	[tilespmem:v14+s22+$0x0] =	vst.idx.add.f32.msk $0xffff, v1  }
0xfa: {  	vm10 =	vgt.s32 v10, $0x0;
	v9 =	vnsel vm9, $0x0, v9;
	v8 =	vmin.u32 v8, $0x7FF;
	[tilespmem:v2+s22+$0x0] =	vst.idx.add.f32.msk $0xffff, v1  }
0xfb: {  	vm11 =	vgt.s32 v58, $0x0;
	v9 =	vmin.u32 v9, $0x7FF;
	v2 =	vnsel vm10, $0x0, v10;
	[tilespmem:v3+s22+$0x0] =	vst.idx.add.f32.msk $0xffff, v1  }
0xfc: {  	vm12 =	vgt.s32 v59, $0x0;
	v3 =	vnsel vm11, $0x0, v58;
	[tilespmem:v5+s22+$0x0] =	vst.idx.add.f32.msk $0xffff, v1;
	v2 =	vmin.u32 v2, $0x7FF  }
0xfd: {  	vm13 =	vgt.s32 v61, $0x0;
	v5 =	vnsel vm12, $0x0, v59;
	[tilespmem:v6+s22+$0x0] =	vst.idx.add.f32.msk $0xffff, v1;
	v3 =	vmin.u32 v3, $0x7FF  }
0xfe: {  	vm14 =	vgt.s32 v62, $0x0;
	v6 =	vnsel vm13, $0x0, v61;
	[tilespmem:v7+s22+$0x0] =	vst.idx.add.f32.msk $0xffff, v1;
	v5 =	vmin.u32 v5, $0x7FF  }
0xff: {  	vm15 =	vgt.s32 v11, $0x0;
	v7 =	vnsel vm14, $0x0, v62;
	[tilespmem:v8+s22+$0x0] =	vst.idx.add.f32.msk $0xffff, v1;
	v6 =	vmin.u32 v6, $0x7FF  }
0x100: {  	v8 =	vnsel vm15, $0x0, v11;
	[tilespmem:v9+s22+$0x0] =	vst.idx.add.f32.msk $0xffff, v1;
	v7 =	vmin.u32 v7, $0x7FF  }
0x101: {  	v8 =	vmin.u32 v8, $0x7FF;
	[tilespmem:v2+s22+$0x0] =	vst.idx.add.f32.msk $0xffff, v1  }
0x102: {  	[tilespmem:v3+s22+$0x0] =	vst.idx.add.f32.msk $0xffff, v1  }
0x103: {  	[tilespmem:v5+s22+$0x0] =	vst.idx.add.f32.msk $0xffff, v1  }
0x104: {  	[tilespmem:v6+s22+$0x0] =	vst.idx.add.f32.msk $0xffff, v1  }
0x105: {  	[tilespmem:v7+s22+$0x0] =	vst.idx.add.f32.msk $0xffff, v1  }
0x106: {  	[tilespmem:v8+s22+$0x0] =	vst.idx.add.f32.msk $0xffff, v1  }
0x107: {  	v2 =	vld [tilespmem:s6+$0xFFFFFFC0];
	_ =	sdelay $0x1  }
0x108: {  	v3 =	vld [tilespmem:s6+$0xFFFFFFD0];
	_ =	sdelay $0x1  }
0x109: {  	v5 =	vld [tilespmem:s6+$0xFFFFFFE0]  }
0x10a: {  	v6 =	vld [tilespmem:s6+$0xFFFFFFF0];
	v2 =	vadd.f32 $-3.200000000e+01, v2;
	_ =	sdelay $0x1  }
0x10b: {  	v7 =	vld [tilespmem:s6+$0x0];
	v3 =	vadd.f32 $-3.200000000e+01, v3;
	v2 =	vmul.f32 $1.442695020e+00, v2;
	_ =	sdelay $0x1  }
0x10c: {  	v5 =	vadd.f32 $-3.200000000e+01, v5;
	v3 =	vmul.f32 $1.442695020e+00, v3;
	(erf) = vpow2.f32 v2  }
0x10d: {  	v6 =	vadd.f32 $-3.200000000e+01, v6;
	v2 =	vld [tilespmem:s6+$0x10]  }
0x10e: {  	v8 =	vld [tilespmem:s6+$0x20];
	v5 =	vmul.f32 $1.442695020e+00, v5;
	(erf) = vpow2.f32 v3  }
0x10f: {  	v6 =	vmul.f32 $1.442695020e+00, v6;
	v3 =	vadd.f32 $-3.200000000e+01, v7  }
0x110: {  	(erf) = vpow2.f32 v5  }
0x111: {  	v3 =	vmul.f32 $1.442695020e+00, v3;
	(erf) = vpow2.f32 v6;
	v6 =	vld [tilespmem:s6+$0x30]  }
0x112: {  	s17 =	simm.s32 $0x38C0;
	v2 =	vadd.f32 $-3.200000000e+01, v2  }
0x113: {  	v5 =	vadd.f32 $-3.200000000e+01, v8;
	(erf) = vpow2.f32 v3;
	v3 =	vld [tilespmem:s17+$0xFFFFFFC0]  }
0x114: {  	v8 =	vld [tilespmem:s17+$0xFFFFFFD0];
	v2 =	vmul.f32 $1.442695020e+00, v2  }
0x115: {  	v5 =	vmul.f32 $1.442695020e+00, v5;
	v7 =	vpop (erf)  }
0x116: {  	v6 =	vadd.f32 $-3.200000000e+01, v6;
	(erf) = vpow2.f32 v2;
	v2 =	vld [tilespmem:s17+$0xFFFFFFE0];
	v4 =	vadd.f32 v7, v4  }
0x117: {  	v9 =	vpop (erf);
	(erf) = vpow2.f32 v5  }
0x118: {  	v5 =	vld [tilespmem:s17+$0xFFFFFFF0];
	v3 =	vadd.f32 $-3.200000000e+01, v3;
	v6 =	vmul.f32 $1.442695020e+00, v6;
	v4 =	vadd.f32 v9, v4  }
0x119: {  	[tilespmem:s16+$0xFFFFFFC0] =	vst v7;
	v7 =	vadd.f32 $-3.200000000e+01, v8;
	v10 =	vpop (erf)  }
0x11a: {  	v8 =	vpop (erf);
	v3 =	vmul.f32 $1.442695020e+00, v3;
	(erf) = vpow2.f32 v6;
	v4 =	vadd.f32 v10, v4  }
0x11b: {  	v11 =	vld [tilespmem:s17+$0x0];
	v6 =	vmul.f32 $1.442695020e+00, v7;
	v2 =	vadd.f32 $-3.200000000e+01, v2  }
0x11c: {  	v63 =	vld [tilespmem:s17+$0x10];
	(erf) = vpow2.f32 v3;
	v4 =	vadd.f32 v8, v4  }
0x11d: {  	[tilespmem:s16+$0xFFFFFFD0] =	vst v9;
	v7 =	vadd.f32 $-3.200000000e+01, v5;
	v5 =	vpop (erf);
	v2 =	vmul.f32 $1.442695020e+00, v2  }
0x11e: {  	[tilespmem:s16+$0xFFFFFFF0] =	vst v8;
	v3 =	vld [tilespmem:s17+$0x20];
	(erf) = vpow2.f32 v6;
	v8 =	vadd.f32 v5, v4  }
0x11f: {  	[tilespmem:s16+$0xFFFFFFE0] =	vst v10;
	v7 =	vmul.f32 $1.442695020e+00, v7;
	v6 =	vpop (erf)  }
0x120: {  	[tilespmem:s16+$0x0] =	vst v5;
	v5 =	vadd.f32 $-3.200000000e+01, v11;
	v4 =	vld [tilespmem:s17+$0x30];
	(erf) = vpow2.f32 v2;
	v8 =	vadd.f32 v6, v8  }
0x121: {  	s1 =	simm.s32 $0x80;
	s6 =	simm.s32 $0x3940;
	[tilespmem:s16+$0x10] =	vst v6;
	v6 =	vadd.f32 $-3.200000000e+01, v63;
	v2 =	vpop (erf)  }
.LBB2_9:
0x122: {  	v9 =	vld [tilespmem:s6+$0xFFFFFFC0];
	v10 =	vmul.f32 $1.442695020e+00, v5;
	(erf) = vpow2.f32 v7;
	[tilespmem:s16+$0x20] =	vst v2;
	v2 =	vadd.f32 v2, v8  }
0x123: {  	s1 =	sadd.s32 $0x80, s1;
	v3 =	vadd.f32 $-3.200000000e+01, v3;
	v7 =	vpop (erf)  }
0x124: {  	p0 =	slt.u32 s1, $0x780;
	v11 =	vmul.f32 $1.442695020e+00, v6;
	v8 =	vld [tilespmem:s6+$0xFFFFFFD0];
	(erf) = vpow2.f32 v10;
	[tilespmem:s16+$0x30] =	vst v7;
	v2 =	vadd.f32 v7, v2  }
0x125: {  	s16 =	sadd.s32 $0x80, s16;
	v4 =	vadd.f32 $-3.200000000e+01, v4;
	v5 =	vpop (erf)  }
0x126: {  	v3 =	vmul.f32 $1.442695020e+00, v3;
	v7 =	vld [tilespmem:s6+$0xFFFFFFE0];
	[tilespmem:s16+$0xFFFFFFC0] =	vst v5;
	v2 =	vadd.f32 v5, v2;
	(erf) = vpow2.f32 v11  }
0x127: {  	v5 =	vadd.f32 $-3.200000000e+01, v9;
	v6 =	vpop (erf)  }
0x128: {  	v4 =	vmul.f32 $1.442695020e+00, v4;
	v9 =	vld [tilespmem:s6+$0xFFFFFFF0];
	[tilespmem:s16+$0xFFFFFFD0] =	vst v6;
	v2 =	vadd.f32 v6, v2;
	(erf) = vpow2.f32 v3  }
0x129: {  	v3 =	vadd.f32 $-3.200000000e+01, v8;
	v6 =	vpop (erf)  }
0x12a: {  	v11 =	vmul.f32 $1.442695020e+00, v5;
	v8 =	vld [tilespmem:s6+$0x0];
	[tilespmem:s16+$0xFFFFFFE0] =	vst v6;
	v2 =	vadd.f32 v6, v2;
	(erf) = vpow2.f32 v4  }
0x12b: {  	v4 =	vadd.f32 $-3.200000000e+01, v7;
	v6 =	vpop (erf)  }
0x12c: {  	v7 =	vmul.f32 $1.442695020e+00, v3;
	v10 =	vld [tilespmem:s6+$0x10];
	(erf) = vpow2.f32 v11;
	[tilespmem:s16+$0xFFFFFFF0] =	vst v6;
	v2 =	vadd.f32 v6, v2  }
.Ltmp3:
0x12d: {  	v6 =	vadd.f32 $-3.200000000e+01, v9;
	v5 =	vpop (erf);
	(pc) =	sbr.rel @p0 .LBB2_9-.Ltmp3, $4  }
0x12e: {  	v9 =	vmul.f32 $1.442695020e+00, v4;
	v3 =	vld [tilespmem:s6+$0x20];
	(erf) = vpow2.f32 v7;
	[tilespmem:s16+$0x0] =	vst v5;
	v11 =	vadd.f32 v5, v2  }
0x12f: {  	v5 =	vadd.f32 $-3.200000000e+01, v8;
	v8 =	vpop (erf)  }
0x130: {  	v7 =	vmul.f32 $1.442695020e+00, v6;
	v4 =	vld [tilespmem:s6+$0x30];
	(erf) = vpow2.f32 v9;
	[tilespmem:s16+$0x10] =	vst v8;
	v8 =	vadd.f32 v8, v11  }
0x131: {  	s6 =	sadd.s32 $0x80, s6;
	v6 =	vadd.f32 $-3.200000000e+01, v10;
	v2 =	vpop (erf)  }
0x132: {  	(erf) = vpow2.f32 v7;
	v7 =	vadd.f32 v2, v8  }
0x133: {  	v5 =	vmul.f32 $1.442695020e+00, v5  }
0x134: {  	v3 =	vadd.f32 $-3.200000000e+01, v3;
	v63 =	vpop (erf);
	v6 =	vmul.f32 $1.442695020e+00, v6  }
0x135: {  	(erf) = vpow2.f32 v5;
	v5 =	vadd.f32 v63, v7  }
0x136: {  	v3 =	vmul.f32 $1.442695020e+00, v3;
	v7 =	vpop (erf)  }
0x137: {  	v5 =	vadd.f32 v7, v5  }
0x138: {  	v4 =	vadd.f32 $-3.200000000e+01, v4;
	(erf) = vpow2.f32 v6;
	v6 =	vpop (erf)  }
0x139: {  	v5 =	vadd.f32 v6, v5  }
0x13a: {  	v4 =	vmul.f32 $1.442695020e+00, v4;
	(erf) = vpow2.f32 v3;
	v3 =	vpop (erf)  }
0x13b: {  	v5 =	vadd.f32 v3, v5  }
0x13c: {  	(erf) = vpow2.f32 v4  }
0x13d: {  	v9 =	vpop (erf)  }
0x13e: {  	v4 =	vadd.f32 v9, v5  }
0x13f: {  	v5 =	vpop (erf)  }
0x140: {  	v4 =	vadd.f32 v5, v4  }
0x141: {  	v10 =	vpop (erf)  }
0x142: {  	v4 =	vadd.f32 v10, v4  }
0x143: {  	v11 =	vpop (erf)  }
0x144: {  	v4 =	vadd.f32 v11, v4  }
0x145: {  	v12 =	vpop (erf)  }
0x146: {  	v4 =	vadd.f32 v12, v4;
	_ =	sdelay $0x1  }
0x147: {  	(xrf2) =	vadd.scan.msk.f32 $0xffff, v4;
	_ =	sdelay $0x9  }
0x148: {  	v4, _, _ =	vpop (xrf2)  }
0x149: {  	v13 =	vbroadcast v4, $0xF;
	_ =	sdelay $0x1  }
0x14a: {  	v4 =	vimm.f32 $0.0e+00;
	vm0 =	vge.f32 v13, $3.000000010e+38  }
0x14b: {  	v14 =	vsel vm0, $0x3F800000, v4  }
0x14c: {  	(xrf0) =	vmax.scan.msk.f32 $0xffff, v14;
	_ =	sdelay $0x5  }
0x14d: {  	v14, _, _ =	vpop (xrf0)  }
0x14e: {  	(v2sf) =	vpush v14, $0xF;
	_ =	sdelay $0xa  }
0x14f: {  	[tilespmem:s16+$0x20] =	vst v2;
	(erf) = vrcp.f32 v13  }
0x150: {  	s1 =	sadd.s32 $0x80, s16;
	[tilespmem:s16+$0x30] =	vst v63  }
0x151: {  	[tilespmem:s1+$0xFFFFFFC0] =	vst v7  }
0x152: {  	[tilespmem:s1+$0xFFFFFFD0] =	vst v6  }
0x153: {  	[tilespmem:s1+$0xFFFFFFE0] =	vst v3;
	s6 =	spop (v2sf)  }
0x154: {  	[tilespmem:s1+$0xFFFFFFF0] =	vst v9;
	p0 =	sgt.f32 s6, $0.0e+00  }
.Ltmp4:
0x155: {  	[tilespmem:s1+$0x0] =	vst v5;
	(pc) =	sbr.rel @!p0 .LBB2_16-.Ltmp4, $4  }
0x156: {  	[tilespmem:s1+$0x10] =	vst v10  }
0x157: {  	[tilespmem:s1+$0x20] =	vst v11  }
0x158: {  	[tilespmem:s1+$0x30] =	vst v12;
	v2 =	vpop (erf)  }
0x159: {  	[tilespmem:$0x5000] =	vst v2  }
0x15a: {  	s6 =	simm.s32 $0x3840  }
0x15b: {  	v5 =	vld [tilespmem:s6+$0xFFFFFFC0]  }
0x15c: {  	v6 =	vld [tilespmem:s6+$0xFFFFFFD0]  }
0x15d: {  	v7 =	vld [tilespmem:s6+$0xFFFFFFE0]  }
0x15e: {  	v3 =	vld [tilespmem:s6+$0xFFFFFFF0]  }
0x15f: {  	v2 =	vld [tilespmem:s6+$0x0]  }
0x160: {  	v5 =	vmax.f32 v4, v5;
	v4 =	vld [tilespmem:s6+$0x10]  }
0x161: {  	v6 =	vmax.f32 v5, v6;
	v5 =	vld [tilespmem:s6+$0x20]  }
0x162: {  	s1 =	simm.s32 $0x0;
	v7 =	vmax.f32 v6, v7;
	v6 =	vld [tilespmem:s6+$0x30];
	s6 =	simm.s32 $0x38C0  }
.LBB2_12:
0x163: {  	v8 =	vld [tilespmem:s6+$0xFFFFFFC0];
	s1 =	sadd.s32 $0x80, s1;
	v3 =	vmax.f32 v7, v3  }
0x164: {  	v7 =	vld [tilespmem:s6+$0xFFFFFFD0];
	p0 =	slt.u32 s1, $0x780;
	v2 =	vmax.f32 v3, v2  }
0x165: {  	v9 =	vld [tilespmem:s6+$0xFFFFFFE0];
	v2 =	vmax.f32 v2, v4  }
.Ltmp5:
0x166: {  	v3 =	vld [tilespmem:s6+$0xFFFFFFF0];
	v4 =	vmax.f32 v2, v5;
	(pc) =	sbr.rel @p0 .LBB2_12-.Ltmp5, $4  }
0x167: {  	v2 =	vld [tilespmem:s6+$0x0];
	v4 =	vmax.f32 v4, v6  }
0x168: {  	v5 =	vmax.f32 v4, v8;
	v4 =	vld [tilespmem:s6+$0x10]  }
0x169: {  	v6 =	vmax.f32 v5, v7;
	v5 =	vld [tilespmem:s6+$0x20]  }
0x16a: {  	v7 =	vmax.f32 v6, v9;
	v6 =	vld [tilespmem:s6+$0x30];
	s6 =	sadd.s32 $0x80, s6  }
0x16b: {  	v3 =	vmax.f32 v7, v3  }
0x16c: {  	v2 =	vmax.f32 v3, v2  }
0x16d: {  	v2 =	vmax.f32 v2, v4  }
0x16e: {  	v2 =	vmax.f32 v2, v5  }
0x16f: {  	v2 =	vmax.f32 v2, v6  }
0x170: {  	(xrf0) =	vmax.scan.msk.f32 $0xffff, v2;
	_ =	sdelay $0x2  }
0x171: {  	s1 =	simm.s32 $0x3840  }
0x172: {  	v3 =	vld [tilespmem:s1+$0xFFFFFFC0];
	_ =	sdelay $0x1  }
0x173: {  	v4 =	vld [tilespmem:s1+$0xFFFFFFD0];
	v2, _, _ =	vpop (xrf0)  }
0x174: {  	v2 =	vbroadcast v2, $0xF  }
0x175: {  	v5 =	vld [tilespmem:s1+$0xFFFFFFE0]  }
0x176: {  	v6 =	vld [tilespmem:s1+$0xFFFFFFF0];
	v3 =	vsub.f32 v3, v2;
	_ =	sdelay $0x1  }
0x177: {  	v4 =	vsub.f32 v4, v2;
	v3 =	vmul.f32 $1.442695020e+00, v3  }
0x178: {  	v7 =	vld [tilespmem:s1+$0x0]  }
0x179: {  	v5 =	vsub.f32 v5, v2;
	v4 =	vmul.f32 $1.442695020e+00, v4;
	(erf) = vpow2.f32 v3  }
0x17a: {  	v6 =	vsub.f32 v6, v2;
	v3 =	vld [tilespmem:s1+$0x10]  }
0x17b: {  	v8 =	vld [tilespmem:s1+$0x20];
	v5 =	vmul.f32 $1.442695020e+00, v5;
	(erf) = vpow2.f32 v4  }
0x17c: {  	v6 =	vmul.f32 $1.442695020e+00, v6  }
0x17d: {  	v4 =	vsub.f32 v7, v2;
	(erf) = vpow2.f32 v5  }
0x17e: {  	s8 =	simm.s32 $0x38C0;
	(erf) = vpow2.f32 v6;
	v6 =	vld [tilespmem:s1+$0x30]  }
0x17f: {  	v7 =	vld [tilespmem:s8+$0xFFFFFFC0];
	v4 =	vmul.f32 $1.442695020e+00, v4;
	v3 =	vsub.f32 v3, v2  }
0x180: {  	v5 =	vsub.f32 v8, v2  }
0x181: {  	v9 =	vld [tilespmem:s8+$0xFFFFFFD0];
	(erf) = vpow2.f32 v4;
	v3 =	vmul.f32 $1.442695020e+00, v3  }
0x182: {  	v5 =	vmul.f32 $1.442695020e+00, v5;
	v4 =	vimm.f32 $0.0e+00;
	v8 =	vpop (erf)  }
0x183: {  	v6 =	vsub.f32 v6, v2;
	(erf) = vpow2.f32 v3;
	v4 =	vadd.f32 v8, v4  }
0x184: {  	v7 =	vsub.f32 v7, v2;
	v3 =	vld [tilespmem:s8+$0xFFFFFFE0];
	v10 =	vpop (erf)  }
0x185: {  	s1 =	simm.s32 $0x3040;
	(erf) = vpow2.f32 v5;
	v5 =	vld [tilespmem:s8+$0xFFFFFFF0];
	v6 =	vmul.f32 $1.442695020e+00, v6;
	v4 =	vadd.f32 v10, v4  }
0x186: {  	[tilespmem:s1+$0xFFFFFFC0] =	vst v8;
	v8 =	vsub.f32 v9, v2;
	v11 =	vpop (erf)  }
0x187: {  	v12 =	vld [tilespmem:s8+$0x0];
	v7 =	vmul.f32 $1.442695020e+00, v7;
	v9 =	vpop (erf);
	(erf) = vpow2.f32 v6;
	v4 =	vadd.f32 v11, v4  }
0x188: {  	v6 =	vmul.f32 $1.442695020e+00, v8  }
0x189: {  	v13 =	vld [tilespmem:s8+$0x10];
	(erf) = vpow2.f32 v7;
	v3 =	vsub.f32 v3, v2;
	v4 =	vadd.f32 v9, v4  }
0x18a: {  	[tilespmem:s1+$0xFFFFFFD0] =	vst v10;
	v8 =	vpop (erf);
	v5 =	vsub.f32 v5, v2  }
0x18b: {  	[tilespmem:s1+$0xFFFFFFF0] =	vst v9;
	(erf) = vpow2.f32 v6;
	v7 =	vmul.f32 $1.442695020e+00, v3;
	v3 =	vld [tilespmem:s8+$0x20];
	v9 =	vadd.f32 v8, v4  }
0x18c: {  	[tilespmem:s1+$0xFFFFFFE0] =	vst v11;
	v6 =	vsub.f32 v12, v2;
	v10 =	vpop (erf)  }
0x18d: {  	[tilespmem:s1+$0x0] =	vst v8;
	v8 =	vmul.f32 $1.442695020e+00, v5;
	v4 =	vld [tilespmem:s8+$0x30];
	(erf) = vpow2.f32 v7;
	v9 =	vadd.f32 v10, v9  }
0x18e: {  	s6 =	simm.s32 $0x80;
	v7 =	vsub.f32 v13, v2;
	s8 =	simm.s32 $0x3940;
	[tilespmem:s1+$0x10] =	vst v10;
	v5 =	vpop (erf)  }
.LBB2_14:
0x18f: {  	v10 =	vld [tilespmem:s8+$0xFFFFFFC0];
	v11 =	vmul.f32 $1.442695020e+00, v6;
	(erf) = vpow2.f32 v8;
	[tilespmem:s1+$0x20] =	vst v5;
	v5 =	vadd.f32 v5, v9  }
0x190: {  	s6 =	sadd.s32 $0x80, s6;
	v3 =	vsub.f32 v3, v2;
	v8 =	vpop (erf)  }
0x191: {  	p0 =	slt.u32 s6, $0x780;
	v12 =	vmul.f32 $1.442695020e+00, v7;
	v9 =	vld [tilespmem:s8+$0xFFFFFFD0];
	(erf) = vpow2.f32 v11;
	[tilespmem:s1+$0x30] =	vst v8;
	v5 =	vadd.f32 v8, v5  }
0x192: {  	s1 =	sadd.s32 $0x80, s1;
	v4 =	vsub.f32 v4, v2;
	v6 =	vpop (erf)  }
0x193: {  	v3 =	vmul.f32 $1.442695020e+00, v3;
	v8 =	vld [tilespmem:s8+$0xFFFFFFE0];
	[tilespmem:s1+$0xFFFFFFC0] =	vst v6;
	v5 =	vadd.f32 v6, v5;
	(erf) = vpow2.f32 v12  }
0x194: {  	v6 =	vsub.f32 v10, v2;
	v7 =	vpop (erf)  }
0x195: {  	v4 =	vmul.f32 $1.442695020e+00, v4;
	v10 =	vld [tilespmem:s8+$0xFFFFFFF0];
	[tilespmem:s1+$0xFFFFFFD0] =	vst v7;
	v5 =	vadd.f32 v7, v5;
	(erf) = vpow2.f32 v3  }
0x196: {  	v3 =	vsub.f32 v9, v2;
	v7 =	vpop (erf)  }
0x197: {  	v12 =	vmul.f32 $1.442695020e+00, v6;
	v9 =	vld [tilespmem:s8+$0x0];
	[tilespmem:s1+$0xFFFFFFE0] =	vst v7;
	v5 =	vadd.f32 v7, v5;
	(erf) = vpow2.f32 v4  }
0x198: {  	v4 =	vsub.f32 v8, v2;
	v7 =	vpop (erf)  }
0x199: {  	v8 =	vmul.f32 $1.442695020e+00, v3;
	v11 =	vld [tilespmem:s8+$0x10];
	(erf) = vpow2.f32 v12;
	[tilespmem:s1+$0xFFFFFFF0] =	vst v7;
	v5 =	vadd.f32 v7, v5  }
.Ltmp6:
0x19a: {  	v7 =	vsub.f32 v10, v2;
	v6 =	vpop (erf);
	(pc) =	sbr.rel @p0 .LBB2_14-.Ltmp6, $4  }
0x19b: {  	v10 =	vmul.f32 $1.442695020e+00, v4;
	v3 =	vld [tilespmem:s8+$0x20];
	(erf) = vpow2.f32 v8;
	[tilespmem:s1+$0x0] =	vst v6;
	v12 =	vadd.f32 v6, v5  }
0x19c: {  	v6 =	vsub.f32 v9, v2;
	v9 =	vpop (erf)  }
0x19d: {  	v8 =	vmul.f32 $1.442695020e+00, v7;
	v4 =	vld [tilespmem:s8+$0x30];
	(erf) = vpow2.f32 v10;
	[tilespmem:s1+$0x10] =	vst v9;
	v9 =	vadd.f32 v9, v12  }
0x19e: {  	s8 =	sadd.s32 $0x80, s8;
	v7 =	vsub.f32 v11, v2;
	v5 =	vpop (erf)  }
0x19f: {  	v6 =	vmul.f32 $1.442695020e+00, v6;
	(erf) = vpow2.f32 v8;
	v58 =	vadd.f32 v5, v9  }
0x1a0: {  	v3 =	vsub.f32 v3, v2;
	v59 =	vpop (erf)  }
0x1a1: {  	v7 =	vmul.f32 $1.442695020e+00, v7;
	(erf) = vpow2.f32 v6;
	v60 =	vadd.f32 v59, v58  }
0x1a2: {  	v2 =	vsub.f32 v4, v2;
	v61 =	vpop (erf);
	v3 =	vmul.f32 $1.442695020e+00, v3  }
0x1a3: {  	(erf) = vpow2.f32 v7;
	v6 =	vadd.f32 v61, v60  }
0x1a4: {  	v62 =	vpop (erf);
	v2 =	vmul.f32 $1.442695020e+00, v2  }
0x1a5: {  	(erf) = vpow2.f32 v3;
	v6 =	vadd.f32 v62, v6  }
0x1a6: {  	v3 =	vpop (erf)  }
0x1a7: {  	(erf) = vpow2.f32 v2;
	v6 =	vadd.f32 v3, v6  }
0x1a8: {  	v2 =	vpop (erf)  }
0x1a9: {  	v6 =	vadd.f32 v2, v6  }
0x1aa: {  	v63 =	vpop (erf)  }
0x1ab: {  	v6 =	vadd.f32 v63, v6  }
0x1ac: {  	v10 =	vpop (erf)  }
0x1ad: {  	v6 =	vadd.f32 v10, v6  }
0x1ae: {  	v11 =	vpop (erf)  }
0x1af: {  	v6 =	vadd.f32 v11, v6  }
0x1b0: {  	v12 =	vpop (erf)  }
0x1b1: {  	v6 =	vadd.f32 v12, v6;
	_ =	sdelay $0x1  }
0x1b2: {  	(xrf2) =	vadd.scan.msk.f32 $0xffff, v6;
	_ =	sdelay $0x9  }
0x1b3: {  	v6, _, _ =	vpop (xrf2)  }
0x1b4: {  	v6 =	vbroadcast v6, $0xF;
	_ =	sdelay $0x1  }
0x1b5: {  	[tilespmem:s1+$0x20] =	vst v5;
	(erf) = vrcp.f32 v6  }
0x1b6: {  	s17 =	sadd.s32 $0x80, s1;
	[tilespmem:s1+$0x30] =	vst v59  }
0x1b7: {  	[tilespmem:s17+$0xFFFFFFC0] =	vst v61  }
0x1b8: {  	[tilespmem:s17+$0xFFFFFFD0] =	vst v62  }
0x1b9: {  	[tilespmem:s17+$0xFFFFFFE0] =	vst v3  }
0x1ba: {  	[tilespmem:s17+$0xFFFFFFF0] =	vst v2  }
0x1bb: {  	[tilespmem:s17+$0x0] =	vst v63  }
0x1bc: {  	[tilespmem:s17+$0x10] =	vst v10  }
0x1bd: {  	[tilespmem:s17+$0x20] =	vst v11  }
0x1be: {  	[tilespmem:s17+$0x30] =	vst v12;
	v2 =	vpop (erf)  }
0x1bf: {  	[tilespmem:$0x5000] =	vst v2  }
.LBB2_16:
0x1c0: {  	p0 =	seq.s32 s31, $0x0  }
0x1c1: {  	s1 =	simm.s32 @!p0 $0x5  }
0x1c2: {  	_ =	swait.ge @!p0 [sflag:s1], $0x800  }
0x1c3: {  	[sflag:s1] =	ssyncset.done @!p0 $0x0  }
0x1c4: {  	s16 =	simm.s32 $0x3040;
	[sflag:s1] =	ssyncadd.s32 @!p0 $0xFFFFF800  }
0x1c5: {  	v3 =	vld [tilespmem:s16+$0x30]  }
0x1c6: {  	v4 =	vld [tilespmem:s16+$0xFFFFFFD0]  }
0x1c7: {  	v5 =	vld [tilespmem:s16+$0xFFFFFFE0]  }
0x1c8: {  	s6 =	simm.s32 $0x2040;
	v6 =	vld [tilespmem:s16+$0xFFFFFFF0]  }
0x1c9: {  	v7 =	vld [tilespmem:s6+$0x30]  }
0x1ca: {  	v8 =	vld [tilespmem:s16+$0x0]  }
0x1cb: {  	v9 =	vld [tilespmem:s16+$0x10]  }
0x1cc: {  	v10 =	vld [tilespmem:s16+$0x20]  }
0x1cd: {  	v11 =	vld [tilespmem:s16+$0xFFFFFFC0]  }
0x1ce: {  	v12 =	vld [tilespmem:s6+$0xFFFFFFC0];
	v3 =	vmul.f32 v3, v2  }
0x1cf: {  	v13 =	vld [tilespmem:s6+$0xFFFFFFD0]  }
0x1d0: {  	v14 =	vld [tilespmem:s6+$0xFFFFFFE0];
	v4 =	vmul.f32 v4, v2;
	vm0 =	vlt.f32 v3, $3.999999900e-04  }
0x1d1: {  	v15 =	vld [tilespmem:s6+$0xFFFFFFF0];
	v3 =	vsel vm0, $0x0, v3  }
0x1d2: {  	v16 =	vld [tilespmem:s6+$0x10];
	vm0 =	vlt.f32 v4, $3.999999900e-04;
	v3 =	vmul.f32 v3, v7;
	v7 =	vmul.f32 v11, v2  }
0x1d3: {  	s8 =	simm.s32 $0x4040;
	v11 =	vld [tilespmem:s6+$0x0];
	v4 =	vsel vm0, $0x0, v4  }
0x1d4: {  	s17 =	simm.s32 $0x30C0;
	s1 =	simm.s32 $0x3840;
	v5 =	vmul.f32 v5, v2;
	[tilespmem:s8+$0x30] =	vst v3;
	vm0 =	vlt.f32 v7, $3.999999900e-04;
	v3 =	vmul.f32 v4, v13;
	v4 =	vld [tilespmem:s6+$0x20]  }
0x1d5: {  	v6 =	vmul.f32 v6, v2;
	v13 =	vld [tilespmem:s17+$0x30];
	[tilespmem:s1+$0x30] =	vst v0;
	v7 =	vsel vm0, $0x0, v7  }
0x1d6: {  	v10 =	vmul.f32 v10, v2;
	vm0 =	vlt.f32 v5, $3.999999900e-04;
	v7 =	vmul.f32 v7, v12;
	v12 =	vld [tilespmem:s17+$0xFFFFFFD0];
	[tilespmem:s8+$0xFFFFFFD0] =	vst v3  }
0x1d7: {  	v3 =	vsel vm0, $0x0, v5;
	v5 =	vmul.f32 v8, v2;
	v8 =	vmul.f32 v9, v2;
	v9 =	vld [tilespmem:s17+$0xFFFFFFE0];
	[tilespmem:s1+$0xFFFFFFD0] =	vst v0  }
0x1d8: {  	s16 =	simm.s32 $0x20C0;
	vm2 =	vlt.f32 v10, $3.999999900e-04;
	vm0 =	vlt.f32 v6, $3.999999900e-04;
	v3 =	vmul.f32 v3, v14;
	v14 =	vld [tilespmem:s17+$0xFFFFFFF0];
	[tilespmem:s8+$0xFFFFFFC0] =	vst v7  }
0x1d9: {  	v10 =	vsel vm2, $0x0, v10;
	v6 =	vsel vm0, $0x0, v6;
	v7 =	vld [tilespmem:s16+$0x30];
	[tilespmem:s1+$0xFFFFFFC0] =	vst v0  }
0x1da: {  	vm0 =	vlt.f32 v5, $3.999999900e-04;
	vm1 =	vlt.f32 v8, $3.999999900e-04;
	v6 =	vmul.f32 v6, v15;
	v15 =	vld [tilespmem:s17+$0x0];
	[tilespmem:s8+$0xFFFFFFE0] =	vst v3  }
0x1db: {  	v3 =	vmul.f32 v13, v2;
	v5 =	vsel vm0, $0x0, v5;
	v13 =	vld [tilespmem:s17+$0x10];
	v17 =	vmul.f32 v10, v4;
	[tilespmem:s1+$0xFFFFFFE0] =	vst v0  }
0x1dc: {  	v8 =	vsel vm1, $0x0, v8;
	v5 =	vmul.f32 v5, v11;
	[tilespmem:s8+$0xFFFFFFF0] =	vst v6;
	v11 =	vmul.f32 v12, v2;
	v12 =	vld [tilespmem:s17+$0x20]  }
0x1dd: {  	v16 =	vmul.f32 v8, v16;
	vm0 =	vlt.f32 v3, $3.999999900e-04;
	v8 =	vmul.f32 v9, v2;
	v9 =	vld [tilespmem:s17+$0xFFFFFFC0];
	[tilespmem:s1+$0xFFFFFFF0] =	vst v0  }
0x1de: {  	v19 =	vld [tilespmem:s16+$0xFFFFFFD0];
	[tilespmem:s8+$0x20] =	vst v17;
	v6 =	vsel vm0, $0x0, v3;
	v14 =	vmul.f32 v14, v2;
	vm0 =	vlt.f32 v11, $3.999999900e-04  }
0x1df: {  	v3 =	vld [tilespmem:s16+$0xFFFFFFC0];
	[tilespmem:s8+$0x0] =	vst v5;
	v7 =	vmul.f32 v6, v7;
	v10 =	vmul.f32 v15, v2;
	v18 =	vsel vm0, $0x0, v11  }
0x1e0: {  	s17 =	simm.s32 $0x40C0;
	[tilespmem:s8+$0x10] =	vst v16;
	v6 =	vld [tilespmem:s16+$0xFFFFFFE0];
	vm0 =	vlt.f32 v8, $3.999999900e-04;
	vm1 =	vlt.f32 v14, $3.999999900e-04;
	v11 =	vmul.f32 v13, v2  }
0x1e1: {  	[tilespmem:s17+$0x30] =	vst v7;
	v5 =	vsel vm0, $0x0, v8;
	v4 =	vsel vm1, $0x0, v14;
	v7 =	vld [tilespmem:s16+$0xFFFFFFF0];
	v12 =	vmul.f32 v12, v2  }
0x1e2: {  	[tilespmem:s1+$0x0] =	vst v0;
	vm0 =	vlt.f32 v10, $3.999999900e-04;
	v8 =	vld [tilespmem:s16+$0x0];
	v14 =	vmul.f32 v9, v2;
	vm1 =	vlt.f32 v11, $3.999999900e-04  }
0x1e3: {  	s0 =	sor.u32 $0x1, s0;
	s6 =	simm.s32 $0x38C0;
	[tilespmem:s1+$0x10] =	vst v0;
	v15 =	vmul.f32 v18, v19;
	v9 =	vsel vm1, $0x0, v11;
	v11 =	vld [tilespmem:s16+$0x10];
	vm1 =	vlt.f32 v12, $3.999999900e-04  }
0x1e4: {  	s9 =	simm.s32 $0x80;
	s10 =	simm.s32 $0x3140;
	s8 =	simm.s32 $0x40C0;
	v13 =	vld [tilespmem:s16+$0x20];
	[tilespmem:s6+$0x30] =	vst v0;
	v10 =	vsel vm0, $0x0, v10;
	vm0 =	vlt.f32 v14, $3.999999900e-04;
	v12 =	vsel vm1, $0x0, v12  }
.LBB2_17:
0x1e5: {  	v16 =	vld [tilespmem:s10+$0x30];
	v14 =	vsel vm0, $0x0, v14;
	v5 =	vmul.f32 v5, v6;
	[tilespmem:s1+$0x20] =	vst v0;
	s1 =	smov.u32 s6  }
0x1e6: {  	s9 =	sadd.s32 $0x80, s9;
	v6 =	vld [tilespmem:s10+$0xFFFFFFD0];
	v3 =	vmul.f32 v14, v3;
	[tilespmem:s17+$0xFFFFFFD0] =	vst v15;
	v4 =	vmul.f32 v4, v7  }
0x1e7: {  	p1 =	slt.u32 s9, $0x780;
	v7 =	vld [tilespmem:s10+$0xFFFFFFE0];
	[tilespmem:s6+$0xFFFFFFD0] =	vst v0;
	v8 =	vmul.f32 v10, v8  }
0x1e8: {  	s16 =	sadd.s32 $0x80, s16;
	v10 =	vld [tilespmem:s10+$0xFFFFFFF0];
	[tilespmem:s17+$0xFFFFFFC0] =	vst v3;
	v9 =	vmul.f32 v9, v11  }
0x1e9: {  	v11 =	vld [tilespmem:s16+$0x30];
	[tilespmem:s6+$0xFFFFFFC0] =	vst v0;
	v17 =	vmul.f32 v12, v13  }
0x1ea: {  	v12 =	vld [tilespmem:s10+$0x0];
	v3 =	vmul.f32 v16, v2;
	[tilespmem:s17+$0xFFFFFFE0] =	vst v5  }
0x1eb: {  	v5 =	vmul.f32 v6, v2;
	v13 =	vld [tilespmem:s10+$0x10];
	[tilespmem:s6+$0xFFFFFFE0] =	vst v0  }
0x1ec: {  	v6 =	vmul.f32 v7, v2;
	v14 =	vld [tilespmem:s10+$0x20];
	vm0 =	vlt.f32 v3, $3.999999900e-04;
	[tilespmem:s17+$0xFFFFFFF0] =	vst v4  }
0x1ed: {  	v15 =	vld [tilespmem:s10+$0xFFFFFFC0];
	vm1 =	vlt.f32 v5, $3.999999900e-04;
	v4 =	vmul.f32 v10, v2;
	v7 =	vsel vm0, $0x0, v3;
	[tilespmem:s6+$0xFFFFFFF0] =	vst v0  }
0x1ee: {  	v3 =	vld [tilespmem:s16+$0xFFFFFFC0];
	v16 =	vsel vm1, $0x0, v5;
	vm0 =	vlt.f32 v6, $3.999999900e-04;
	v7 =	vmul.f32 v7, v11;
	[tilespmem:s17+$0x0] =	vst v8  }
0x1ef: {  	s17 =	sadd.s32 $0x80, s17;
	v18 =	vld [tilespmem:s16+$0xFFFFFFD0];
	v5 =	vsel vm0, $0x0, v6;
	vm0 =	vlt.f32 v4, $3.999999900e-04;
	v8 =	vmul.f32 v12, v2;
	[tilespmem:s6+$0x0] =	vst v0  }
.Ltmp7:
0x1f0: {  	s6 =	sadd.s32 $0x80, s6;
	v6 =	vld [tilespmem:s16+$0xFFFFFFE0];
	v4 =	vsel vm0, $0x0, v4;
	v11 =	vmul.f32 v13, v2;
	[tilespmem:s17+$0x30] =	vst v7;
	(pc) =	sbr.rel @p1 .LBB2_17-.Ltmp7, $4  }
0x1f1: {  	v7 =	vld [tilespmem:s16+$0xFFFFFFF0];
	vm0 =	vlt.f32 v8, $3.999999900e-04;
	v12 =	vmul.f32 v14, v2;
	[tilespmem:s6+$0x30] =	vst v0  }
0x1f2: {  	v14 =	vmul.f32 v15, v2;
	v10 =	vsel vm0, $0x0, v8;
	v8 =	vld [tilespmem:s16+$0x0];
	vm0 =	vlt.f32 v11, $3.999999900e-04;
	[tilespmem:s8+$0x10] =	vst v9  }
0x1f3: {  	v9 =	vsel vm0, $0x0, v11;
	v11 =	vld [tilespmem:s16+$0x10];
	vm1 =	vlt.f32 v12, $3.999999900e-04;
	[tilespmem:s1+$0x10] =	vst v0  }
0x1f4: {  	s10 =	sadd.s32 $0x80, s10;
	vm0 =	vlt.f32 v14, $3.999999900e-04;
	v15 =	vmul.f32 v16, v18;
	v12 =	vsel vm1, $0x0, v12;
	v13 =	vld [tilespmem:s16+$0x20];
	[tilespmem:s8+$0x20] =	vst v17;
	s8 =	smov.u32 s17  }
0x1f5: {  	v2 =	vsel vm0, $0x0, v14;
	[tilespmem:s1+$0x20] =	vst v0  }
0x1f6: {  	v2 =	vmul.f32 v2, v3;
	[tilespmem:s17+$0xFFFFFFD0] =	vst v15  }
0x1f7: {  	v3 =	vmul.f32 v5, v6;
	[tilespmem:s6+$0xFFFFFFD0] =	vst v0  }
0x1f8: {  	[tilespmem:s17+$0xFFFFFFC0] =	vst v2  }
0x1f9: {  	[tilespmem:s17+$0xFFFFFFE0] =	vst v3  }
0x1fa: {  	v2 =	vmul.f32 v4, v7;
	[tilespmem:s6+$0xFFFFFFC0] =	vst v0  }
0x1fb: {  	v3 =	vmul.f32 v10, v8;
	[tilespmem:s6+$0xFFFFFFE0] =	vst v0  }
0x1fc: {  	[tilespmem:s17+$0xFFFFFFF0] =	vst v2  }
0x1fd: {  	[tilespmem:s17+$0x0] =	vst v3  }
0x1fe: {  	v2 =	vmul.f32 v9, v11;
	[tilespmem:s6+$0xFFFFFFF0] =	vst v0  }
0x1ff: {  	v3 =	vmul.f32 v12, v13;
	[tilespmem:s6+$0x0] =	vst v0  }
0x200: {  	[tilespmem:s8+$0x10] =	vst v2  }
0x201: {  	[tilespmem:s8+$0x20] =	vst v3  }
0x202: {  	s16 =	sadd.s32 s4, s13;
	[tilespmem:s6+$0x10] =	vst v0  }
0x203: {  	p1 =	seq.s32 s31, $0xFF;
	s1 =	sadd.s32 s5, s16;
	s5 =	sor.u32 s7, s0;
	[tilespmem:s6+$0x20] =	vst v0  }
0x204: {  	[hbm4b:s1+s14] =	stream.strided.scatter [tilespmem:s23], [sflag:$0x5], $0x800, s15, s14, $0x38;
	[tilespmem:$0x5080] =	vst v63  }
0x205: {  	s1 =	sadd.s32 @!p1 $0x1, s5  }
0x206: {  	s6 =	sshll.u32 @!p1 s1, $0x8;
	s1 =	sshll.u32 @!p1 s1, $0x4  }
0x207: {  	s6 =	sand.u32 @!p1 $0xFFFF800, s6;
	s1 =	sand.u32 @!p1 $0x60, s1  }
0x208: {  	s9 =	simm.s32 @!p1 $0x400;
	s1 =	sor.u32 @!p1 s1, s6  }
0x209: {  	s10 =	simm.s32 @!p1 $0x1000;
	s8 =	simm.s32 @!p1 $0x80;
	s6 =	sadd.s32 @!p1 s2, s1  }
0x20a: {  	[tilespmem:s10], [sflag:$0x1] =	stream.strided.gather @!p1 [hbm4b:s6+s8], $0x800, s9, s8, $0x38;
	[tilespmem:$0x5080] =	vst v63  }
0x20b: {  	s1 =	sadd.s32 @!p1 s3, s1;
	s6 =	simm.s32 @!p1 $0x2000  }
0x20c: {  	[tilespmem:s6], [sflag:$0x3] =	stream.strided.gather @!p1 [hbm4b:s1+s8], $0x800, s9, s8, $0x38;
	[tilespmem:$0x5080] =	vst v63  }
0x20d: {  	_ =	swait.ge [sflag:s24], $0x800  }
0x20e: {  	[sflag:s24] =	ssyncset.done $0x0  }
0x20f: {  	[sflag:s24] =	ssyncadd.s32 $0xFFFFF800  }
0x210: {  	_ =	swait.ge [sflag:s25], $0x800  }
0x211: {  	[sflag:s25] =	ssyncset.done $0x0  }
0x212: {  	s17 =	simm.s32 $0x840;
	[sflag:s25] =	ssyncadd.s32 $0xFFFFF800  }
0x213: {  	s13 =	simm.s32 $0x1840;
	v2 =	vld [tilespmem:s17+$0x30]  }
0x214: {  	v3 =	vld [tilespmem:s13+$0x30]  }
0x215: {  	v5 =	vld [tilespmem:s17+$0x20]  }
0x216: {  	v6 =	vld [tilespmem:s13+$0x20]  }
0x217: {  	v8 =	vld [tilespmem:s17+$0x10]  }
0x218: {  	v9 =	vld [tilespmem:s13+$0x10]  }
0x219: {  	v10 =	vld [tilespmem:s17+$0x0]  }
0x21a: {  	s6 =	simm.s32 $0x40;
	v11 =	vld [tilespmem:s13+$0x0]  }
0x21b: {  	v12 =	vld [tilespmem:s6+$0xFFFFFFD0]  }
0x21c: {  	v13 =	vld [tilespmem:s17+$0xFFFFFFF0]  }
0x21d: {  	v14 =	vld [tilespmem:s6+$0xFFFFFFC0]  }
0x21e: {  	v15 =	vld [tilespmem:s17+$0xFFFFFFE0]  }
0x21f: {  	v4 =	vld [tilespmem:s17+$0xFFFFFFD0]  }
0x220: {  	v7 =	vld [tilespmem:s17+$0xFFFFFFC0]  }
0x221: {  	v16 =	vld [tilespmem:s13+$0xFFFFFFC0]  }
0x222: {  	v17 =	vld [tilespmem:s13+$0xFFFFFFD0]  }
0x223: {  	v18 =	vld [tilespmem:s13+$0xFFFFFFE0]  }
0x224: {  	v19 =	vld [tilespmem:s13+$0xFFFFFFF0]  }
0x225: {  	v20 =	vld [tilespmem:s6+$0xFFFFFFE0]  }
0x226: {  	v21 =	vimm.f32 $+Inf;
	v16 =	vmul.f32 v16, v7;
	v7 =	vld [tilespmem:s6+$0xFFFFFFF0];
	v2 =	vmul.f32 v3, v2  }
0x227: {  	v22 =	vimm.f32 $-Inf;
	v17 =	vmul.f32 v17, v4;
	v4 =	vld [tilespmem:s6+$0x0];
	v3 =	vmul.f32 v6, v5  }
0x228: {  	v5 =	vld [tilespmem:s6+$0x10];
	v8 =	vmul.f32 v9, v8;
	v14 =	vadd.f32 v16, v14;
	v16 =	vmul.f32 v18, v15  }
0x229: {  	s1 =	simm.s32 $0x3040;
	v13 =	vmul.f32 v19, v13;
	v9 =	vld [tilespmem:s6+$0x20];
	v6 =	vadd.f32 v17, v12;
	v12 =	vmul.f32 v11, v10  }
0x22a: {  	s8 =	simm.s32 $0x0;
	s9 =	simm.s32 $0x8C0;
	v10 =	vld [tilespmem:s6+$0x30];
	[tilespmem:s1+$0xFFFFFFC0] =	vst v14;
	v15 =	vmin.f32 v21, v14;
	v14 =	vmax.f32 v22, v14;
	v11 =	vadd.f32 v16, v20  }
.LBB2_19:
0x22b: {  	v16 =	vld [tilespmem:s9+$0x30];
	[tilespmem:s1+$0xFFFFFFD0] =	vst v6;
	v15 =	vmin.f32 v15, v6;
	v6 =	vmax.f32 v14, v6;
	v7 =	vadd.f32 v13, v7;
	s13 =	sadd.s32 $0x80, s13  }
0x22c: {  	v13 =	vld [tilespmem:s13+$0x30];
	[tilespmem:s1+$0xFFFFFFE0] =	vst v11;
	v14 =	vmin.f32 v15, v11;
	v6 =	vmax.f32 v6, v11;
	v4 =	vadd.f32 v12, v4  }
0x22d: {  	v11 =	vld [tilespmem:s9+$0x20];
	[tilespmem:s1+$0xFFFFFFF0] =	vst v7;
	v12 =	vmin.f32 v14, v7;
	v6 =	vmax.f32 v6, v7;
	v5 =	vadd.f32 v8, v5  }
0x22e: {  	v8 =	vld [tilespmem:s13+$0x20];
	[tilespmem:s1+$0x0] =	vst v4;
	v7 =	vmin.f32 v12, v4;
	v4 =	vmax.f32 v6, v4;
	v3 =	vadd.f32 v3, v9  }
0x22f: {  	v6 =	vld [tilespmem:s9+$0x10];
	[tilespmem:s1+$0x10] =	vst v5;
	v7 =	vmin.f32 v7, v5;
	v4 =	vmax.f32 v4, v5;
	v2 =	vadd.f32 v2, v10  }
0x230: {  	v9 =	vld [tilespmem:s13+$0x10];
	[tilespmem:s1+$0x20] =	vst v3;
	v5 =	vmin.f32 v7, v3;
	v3 =	vmax.f32 v4, v3  }
0x231: {  	v10 =	vld [tilespmem:s9+$0x0];
	[tilespmem:s1+$0x30] =	vst v2;
	v14 =	vmin.f32 v5, v2;
	v17 =	vmax.f32 v3, v2  }
0x232: {  	s6 =	sadd.s32 $0x80, s6;
	v12 =	vld [tilespmem:s13+$0x0]  }
0x233: {  	v15 =	vld [tilespmem:s6+$0xFFFFFFD0]  }
0x234: {  	v18 =	vld [tilespmem:s9+$0xFFFFFFF0]  }
0x235: {  	v5 =	vld [tilespmem:s6+$0xFFFFFFC0]  }
0x236: {  	v19 =	vld [tilespmem:s9+$0xFFFFFFE0]  }
0x237: {  	v3 =	vld [tilespmem:s9+$0xFFFFFFD0]  }
0x238: {  	v2 =	vld [tilespmem:s9+$0xFFFFFFC0]  }
0x239: {  	s8 =	sadd.s32 $0x80, s8;
	v4 =	vld [tilespmem:s13+$0xFFFFFFC0]  }
0x23a: {  	p1 =	slt.u32 s8, $0x780;
	v20 =	vld [tilespmem:s13+$0xFFFFFFD0]  }
0x23b: {  	v21 =	vld [tilespmem:s13+$0xFFFFFFE0]  }
0x23c: {  	v22 =	vld [tilespmem:s13+$0xFFFFFFF0]  }
0x23d: {  	v23 =	vld [tilespmem:s6+$0xFFFFFFE0]  }
.Ltmp8:
0x23e: {  	v24 =	vmul.f32 v4, v2;
	v7 =	vld [tilespmem:s6+$0xFFFFFFF0];
	v2 =	vmul.f32 v13, v16;
	(pc) =	sbr.rel @p1 .LBB2_19-.Ltmp8, $4  }
0x23f: {  	v13 =	vmul.f32 v20, v3;
	v4 =	vld [tilespmem:s6+$0x0];
	v3 =	vmul.f32 v8, v11  }
0x240: {  	v8 =	vmul.f32 v9, v6;
	v11 =	vadd.f32 v24, v5;
	v16 =	vmul.f32 v21, v19;
	v5 =	vld [tilespmem:s6+$0x10]  }
0x241: {  	s1 =	sadd.s32 $0x80, s1;
	v12 =	vmul.f32 v12, v10;
	v6 =	vadd.f32 v13, v15;
	v13 =	vmul.f32 v22, v18;
	v9 =	vld [tilespmem:s6+$0x20]  }
0x242: {  	s9 =	sadd.s32 $0x80, s9;
	[tilespmem:s1+$0xFFFFFFC0] =	vst v11;
	v15 =	vmin.f32 v14, v11;
	v14 =	vmax.f32 v17, v11;
	v11 =	vadd.f32 v16, v23;
	v10 =	vld [tilespmem:s6+$0x30]  }
0x243: {  	v15 =	vmin.f32 v15, v6;
	v7 =	vadd.f32 v13, v7  }
0x244: {  	v13 =	vmax.f32 v14, v6;
	v14 =	vmin.f32 v15, v11;
	v4 =	vadd.f32 v12, v4  }
0x245: {  	v12 =	vmax.f32 v13, v11;
	v13 =	vmin.f32 v14, v7;
	v5 =	vadd.f32 v8, v5  }
0x246: {  	v8 =	vmax.f32 v12, v7;
	v12 =	vmin.f32 v13, v4;
	v3 =	vadd.f32 v3, v9  }
0x247: {  	v8 =	vmax.f32 v8, v4;
	v9 =	vmin.f32 v12, v5;
	v2 =	vadd.f32 v2, v10  }
0x248: {  	v8 =	vmax.f32 v8, v5;
	v9 =	vmin.f32 v9, v3  }
0x249: {  	v8 =	vmax.f32 v8, v3;
	v9 =	vmin.f32 v9, v2  }
0x24a: {  	v8 =	vmax.f32 v8, v2;
	(xrf0) =	vmin.scan.msk.f32 $0xffff, v9  }
0x24b: {  	(xrf0) =	vmax.scan.msk.f32 $0xffff, v8;
	_ =	sdelay $0x3  }
0x24c: {  	[tilespmem:s1+$0xFFFFFFD0] =	vst v6  }
0x24d: {  	[tilespmem:s1+$0xFFFFFFE0] =	vst v11;
	v8, _, _ =	vpop (xrf0)  }
0x24e: {  	[tilespmem:s1+$0xFFFFFFF0] =	vst v7;
	v9, _, _ =	vpop (xrf0)  }
0x24f: {  	[tilespmem:s1+$0x0] =	vst v4;
	v9 =	vsub.f32 v9, v8  }
0x250: {  	[tilespmem:s1+$0x10] =	vst v5  }
0x251: {  	[tilespmem:s1+$0x20] =	vst v3;
	v9 =	vmul.f32 $4.882812500e-04, v9  }
0x252: {  	s17 =	simm.s32 $0x3080;
	[tilespmem:s1+$0x30] =	vst v2  }
0x253: {  	v3 =	vld [tilespmem:s17+$0x70];
	v6 =	vbroadcast v9, $0xF  }
0x254: {  	v5 =	vld [tilespmem:s17+$0xFFFFFFA0]  }
0x255: {  	v7 =	vld [tilespmem:s17+$0xFFFFFFC0];
	vm0 =	veq.f32 v6, $0.0e+00  }
0x256: {  	v10 =	vld [tilespmem:s17+$0xFFFFFFE0];
	v4 =	vsel vm0, $0x3F800000, v6  }
0x257: {  	v11 =	vld [tilespmem:s17+$0xFFFFFFF0];
	(erf) = vrcp.f32 v4  }
0x258: {  	v12 =	vld [tilespmem:s17+$0x0]  }
0x259: {  	v13 =	vld [tilespmem:s17+$0x10]  }
0x25a: {  	v14 =	vld [tilespmem:s17+$0x20]  }
0x25b: {  	v2 =	vbroadcast v8, $0xF;
	v4 =	vld [tilespmem:s17+$0xFFFFFF90]  }
0x25c: {  	v6 =	vld [tilespmem:s17+$0xFFFFFFB0]  }
0x25d: {  	v8 =	vld [tilespmem:s17+$0xFFFFFFD0];
	v5 =	vsub.f32 v5, v2;
	v7 =	vsub.f32 v7, v2  }
0x25e: {  	v15 =	vld [tilespmem:s17+$0x30];
	v10 =	vsub.f32 v10, v2;
	v11 =	vsub.f32 v11, v2  }
0x25f: {  	v16 =	vld [tilespmem:s17+$0x40];
	v12 =	vsub.f32 v12, v2;
	v9 =	vsub.f32 v3, v2  }
0x260: {  	v17 =	vld [tilespmem:s17+$0x50];
	v13 =	vsub.f32 v13, v2;
	v4 =	vsub.f32 v4, v2;
	v3 =	vpop (erf)  }
0x261: {  	v18 =	vld [tilespmem:s17+$0x60];
	v14 =	vsub.f32 v14, v2;
	v6 =	vsub.f32 v6, v2;
	v9 =	vmul.f32 v9, v3  }
0x262: {  	v19 =	vld [tilespmem:s17+$0xFFFFFF80];
	v8 =	vsub.f32 v8, v2;
	v4 =	vmul.f32 v4, v3;
	v5 =	vmul.f32 v5, v3  }
0x263: {  	v15 =	vsub.f32 v15, v2;
	v6 =	vmul.f32 v6, v3;
	v7 =	vmul.f32 v7, v3  }
0x264: {  	v16 =	vsub.f32 v16, v2;
	v8 =	vmul.f32 v8, v3;
	v10 =	vmul.f32 v10, v3  }
0x265: {  	v17 =	vsub.f32 v17, v2;
	v11 =	vmul.f32 v11, v3;
	v12 =	vmul.f32 v12, v3  }
0x266: {  	v18 =	vsub.f32 v18, v2;
	v13 =	vmul.f32 v13, v3;
	v14 =	vmul.f32 v14, v3  }
0x267: {  	v19 =	vsub.f32 v19, v2;
	v15 =	vmul.f32 v15, v3;
	v16 =	vmul.f32 v16, v3  }
0x268: {  	v17 =	vmul.f32 v17, v3;
	v18 =	vmul.f32 v18, v3  }
0x269: {  	v19 =	vmul.f32 v19, v3;
	v9 =	vtrunc.f32 v9  }
0x26a: {  	v4 =	vtrunc.f32 v4;
	v5 =	vtrunc.f32 v5  }
0x26b: {  	v6 =	vtrunc.f32 v6;
	v7 =	vtrunc.f32 v7  }
0x26c: {  	v8 =	vtrunc.f32 v8;
	v10 =	vtrunc.f32 v10  }
0x26d: {  	v11 =	vtrunc.f32 v11;
	v12 =	vtrunc.f32 v12  }
0x26e: {  	v13 =	vtrunc.f32 v13;
	v14 =	vtrunc.f32 v14  }
0x26f: {  	v15 =	vtrunc.f32 v15;
	v19 =	vtrunc.f32 v19  }
0x270: {  	v16 =	vtrunc.f32 v16;
	v17 =	vtrunc.f32 v17  }
0x271: {  	v18 =	vtrunc.f32 v18;
	v9 =	vcvt.f32.s32 v9  }
0x272: {  	v19 =	vcvt.f32.s32 v19;
	v4 =	vcvt.f32.s32 v4  }
0x273: {  	v5 =	vcvt.f32.s32 v5;
	v6 =	vcvt.f32.s32 v6  }
0x274: {  	v7 =	vcvt.f32.s32 v7;
	v8 =	vcvt.f32.s32 v8  }
0x275: {  	v10 =	vcvt.f32.s32 v10;
	v11 =	vcvt.f32.s32 v11  }
0x276: {  	v12 =	vcvt.f32.s32 v12;
	v13 =	vcvt.f32.s32 v13  }
0x277: {  	v14 =	vcvt.f32.s32 v14;
	v15 =	vcvt.f32.s32 v15  }
0x278: {  	v16 =	vcvt.f32.s32 v16;
	v17 =	vcvt.f32.s32 v17  }
0x279: {  	v18 =	vcvt.f32.s32 v18;
	vm14 =	vgt.s32 v9, $0x0;
	vm0 =	vgt.s32 v19, $0x0  }
0x27a: {  	vm1 =	vgt.s32 v4, $0x0;
	vm2 =	vgt.s32 v5, $0x0;
	vm3 =	vgt.s32 v6, $0x0  }
0x27b: {  	s16 =	simm.s32 $0x3180;
	vm4 =	vgt.s32 v7, $0x0;
	vm5 =	vgt.s32 v8, $0x0;
	vm6 =	vgt.s32 v10, $0x0  }
0x27c: {  	v20 =	vld [tilespmem:s16+$0xFFFFFF90];
	vm7 =	vgt.s32 v11, $0x0;
	vm8 =	vgt.s32 v12, $0x0;
	vm9 =	vgt.s32 v13, $0x0  }
0x27d: {  	v21 =	vld [tilespmem:s16+$0xFFFFFFA0];
	vm10 =	vgt.s32 v14, $0x0;
	vm11 =	vgt.s32 v15, $0x0;
	vm12 =	vgt.s32 v16, $0x0  }
0x27e: {  	v29 =	vld [tilespmem:s16+$0x20];
	vm13 =	vgt.s32 v18, $0x0;
	v9 =	vnsel vm14, $0x0, v9;
	v19 =	vnsel vm0, $0x0, v19  }
0x27f: {  	v36 =	vld [tilespmem:s16+$0xFFFFFF80];
	vm0 =	vgt.s32 v17, $0x0;
	v4 =	vnsel vm1, $0x0, v4;
	v5 =	vnsel vm2, $0x0, v5  }
0x280: {  	v6 =	vnsel vm3, $0x0, v6;
	v7 =	vnsel vm4, $0x0, v7;
	v22 =	vnsel vm12, $0x0, v16;
	v16 =	vld [tilespmem:s16+$0xFFFFFFB0]  }
0x281: {  	v8 =	vnsel vm5, $0x0, v8;
	v9 =	vmin.u32 v9, $0x7FF;
	v23 =	vnsel vm0, $0x0, v17;
	v17 =	vld [tilespmem:s16+$0xFFFFFFC0]  }
0x282: {  	v10 =	vnsel vm6, $0x0, v10;
	v24 =	vnsel vm13, $0x0, v18;
	v18 =	vmin.u32 v5, $0x7FF;
	v5 =	vld [tilespmem:s16+$0xFFFFFFD0]  }
0x283: {  	v12 =	vnsel vm8, $0x0, v12;
	v19 =	vmin.u32 v19, $0x7FF;
	v27 =	vmin.u32 v8, $0x7FF;
	v8 =	vld [tilespmem:s16+$0xFFFFFFE0]  }
0x284: {  	v26 =	vmin.u32 v7, $0x7FF;
	v7 =	vsub.f32 v20, v2;
	v20 =	vmin.u32 v10, $0x7FF;
	v10 =	vld [tilespmem:s16+$0xFFFFFFF0]  }
0x285: {  	v25 =	vmin.u32 v6, $0x7FF;
	v28 =	vmin.u32 v12, $0x7FF;
	v12 =	vsub.f32 v16, v2;
	v16 =	vld [tilespmem:s16+$0x0]  }
0x286: {  	v11 =	vnsel vm7, $0x0, v11;
	v13 =	vnsel vm9, $0x0, v13;
	v14 =	vnsel vm10, $0x0, v14;
	[tilespmem:v9+s22+$0x0] =	vst.idx.add.f32.msk $0xffff, v1  }
0x287: {  	v15 =	vnsel vm11, $0x0, v15;
	v4 =	vmin.u32 v4, $0x7FF;
	v7 =	vmul.f32 v7, v3;
	v9 =	vld [tilespmem:s16+$0x70]  }
0x288: {  	v11 =	vmin.u32 v11, $0x7FF;
	v17 =	vsub.f32 v17, v2;
	v5 =	vsub.f32 v5, v2;
	[tilespmem:v19+s22+$0x0] =	vst.idx.add.f32.msk $0xffff, v1  }
0x289: {  	v30 =	vtrunc.f32 v7;
	v8 =	vsub.f32 v8, v2;
	[tilespmem:v18+s22+$0x0] =	vst.idx.add.f32.msk $0xffff, v1;
	v19 =	vsub.f32 v36, v2  }
0x28a: {  	[tilespmem:v25+s22+$0x0] =	vst.idx.add.f32.msk $0xffff, v1;
	v25 =	vmin.u32 v13, $0x7FF;
	v18 =	vmin.u32 v14, $0x7FF;
	v12 =	vmul.f32 v12, v3  }
0x28b: {  	v7 =	vmul.f32 v17, v3;
	v31 =	vmul.f32 v5, v3;
	v5 =	vsub.f32 v10, v2;
	v10 =	vld [tilespmem:s16+$0x40]  }
0x28c: {  	v17 =	vld [tilespmem:s16+$0x30];
	v32 =	vmul.f32 v8, v3;
	v6 =	vsub.f32 v9, v2;
	v9 =	vsub.f32 v21, v2  }
0x28d: {  	v14 =	vmul.f32 v19, v3;
	v8 =	vsub.f32 v16, v2;
	v33 =	vmul.f32 v5, v3;
	v21 =	vld [tilespmem:s16+$0x10]  }
0x28e: {  	v19 =	vmin.u32 v15, $0x7FF;
	v6 =	vmul.f32 v6, v3;
	v9 =	vmul.f32 v9, v3  }
0x28f: {  	v7 =	vtrunc.f32 v7;
	v37 =	vmul.f32 v8, v3;
	v8 =	vsub.f32 v29, v2  }
0x290: {  	v16 =	vld [tilespmem:s16+$0x50];
	v10 =	vsub.f32 v10, v2;
	v6 =	vtrunc.f32 v6;
	v5 =	vtrunc.f32 v9  }
0x291: {  	v34 =	vld [tilespmem:s16+$0x60];
	v9 =	vsub.f32 v17, v2;
	v17 =	vmul.f32 v8, v3;
	v6 =	vcvt.f32.s32 v6  }
0x292: {  	v8 =	vtrunc.f32 v31;
	v61 =	vmul.f32 v10, v3;
	v21 =	vsub.f32 v21, v2  }
0x293: {  	[tilespmem:v4+s22+$0x0] =	vst.idx.add.f32.msk $0xffff, v1;
	v10 =	vtrunc.f32 v33;
	v4 =	vmul.f32 v9, v3;
	vm15 =	vgt.s32 v6, $0x0  }
0x294: {  	v9 =	vtrunc.f32 v32;
	v21 =	vmul.f32 v21, v3;
	v6 =	vnsel vm15, $0x0, v6  }
0x295: {  	[tilespmem:v26+s22+$0x0] =	vst.idx.add.f32.msk $0xffff, v1;
	v35 =	vmin.u32 v6, $0x7FF;
	v6 =	vtrunc.f32 v12;
	v12 =	vsub.f32 v16, v2  }
0x296: {  	[tilespmem:v27+s22+$0x0] =	vst.idx.add.f32.msk $0xffff, v1;
	v15 =	vtrunc.f32 v17;
	v17 =	vtrunc.f32 v61;
	v16 =	vsub.f32 v34, v2  }
0x297: {  	[tilespmem:v20+s22+$0x0] =	vst.idx.add.f32.msk $0xffff, v1;
	v13 =	vtrunc.f32 v21;
	v62 =	vmul.f32 v12, v3  }
0x298: {  	v20 =	vmin.u32 v22, $0x7FF;
	[tilespmem:v11+s22+$0x0] =	vst.idx.add.f32.msk $0xffff, v1;
	v12 =	vtrunc.f32 v37;
	v63 =	vmul.f32 v16, v3  }
0x299: {  	[tilespmem:v28+s22+$0x0] =	vst.idx.add.f32.msk $0xffff, v1;
	v22 =	vmin.u32 v24, $0x7FF;
	v16 =	vtrunc.f32 v4;
	v4 =	vtrunc.f32 v14  }
0x29a: {  	[tilespmem:v25+s22+$0x0] =	vst.idx.add.f32.msk $0xffff, v1;
	v21 =	vmin.u32 v23, $0x7FF;
	v14 =	vcvt.f32.s32 v30;
	v24 =	vcvt.f32.s32 v4  }
0x29b: {  	s1 =	simm.s32 $0x100;
	v23 =	vtrunc.f32 v62;
	v11 =	vtrunc.f32 v63;
	[tilespmem:v35+s22+$0x0] =	vst.idx.add.f32.msk $0xffff, v1  }
.LBB2_21:
0x29c: {  	v4 =	vimm.f32 $0.0e+00;
	v5 =	vcvt.f32.s32 v5;
	v6 =	vcvt.f32.s32 v6;
	[tilespmem:v18+s22+$0x0] =	vst.idx.add.f32.msk $0xffff, v1  }
0x29d: {  	v7 =	vcvt.f32.s32 v7;
	v8 =	vcvt.f32.s32 v8;
	vm0 =	vgt.s32 v24, $0x0;
	[tilespmem:v19+s22+$0x0] =	vst.idx.add.f32.msk $0xffff, v1  }
0x29e: {  	v9 =	vcvt.f32.s32 v9;
	v10 =	vcvt.f32.s32 v10;
	vm1 =	vgt.s32 v14, $0x0;
	[tilespmem:v20+s22+$0x0] =	vst.idx.add.f32.msk $0xffff, v1  }
0x29f: {  	v12 =	vcvt.f32.s32 v12;
	v13 =	vcvt.f32.s32 v13;
	vm2 =	vgt.s32 v5, $0x0;
	[tilespmem:v21+s22+$0x0] =	vst.idx.add.f32.msk $0xffff, v1  }
0x2a0: {  	v15 =	vcvt.f32.s32 v15;
	v16 =	vcvt.f32.s32 v16;
	vm3 =	vgt.s32 v6, $0x0;
	[tilespmem:v22+s22+$0x0] =	vst.idx.add.f32.msk $0xffff, v1  }
0x2a1: {  	v17 =	vcvt.f32.s32 v17;
	v18 =	vcvt.f32.s32 v23;
	vm4 =	vgt.s32 v7, $0x0  }
0x2a2: {  	v11 =	vcvt.f32.s32 v11;
	vm5 =	vgt.s32 v8, $0x0;
	vm6 =	vgt.s32 v9, $0x0  }
0x2a3: {  	vm7 =	vgt.s32 v10, $0x0;
	vm8 =	vgt.s32 v12, $0x0;
	vm9 =	vgt.s32 v13, $0x0  }
0x2a4: {  	vm10 =	vgt.s32 v15, $0x0;
	vm11 =	vgt.s32 v16, $0x0;
	vm12 =	vgt.s32 v17, $0x0  }
0x2a5: {  	v19 =	vnsel vm0, $0x0, v24;
	vm0 =	vgt.s32 v18, $0x0;
	vm13 =	vgt.s32 v11, $0x0  }
0x2a6: {  	s16 =	sadd.s32 $0x100, s16;
	v14 =	vnsel vm1, $0x0, v14;
	v5 =	vnsel vm2, $0x0, v5;
	v6 =	vnsel vm3, $0x0, v6  }
0x2a7: {  	s1 =	sadd.s32 $0x100, s1;
	v7 =	vnsel vm4, $0x0, v7;
	v8 =	vnsel vm5, $0x0, v8;
	v9 =	vnsel vm6, $0x0, v9;
	v20 =	vld [tilespmem:s16+$0x70]  }
0x2a8: {  	p1 =	slt.u32 s1, $0x700;
	v10 =	vnsel vm7, $0x0, v10;
	v12 =	vnsel vm8, $0x0, v12;
	v13 =	vnsel vm9, $0x0, v13;
	v21 =	vld [tilespmem:s16+$0xFFFFFF90]  }
0x2a9: {  	v15 =	vnsel vm10, $0x0, v15;
	v16 =	vnsel vm11, $0x0, v16;
	v17 =	vnsel vm12, $0x0, v17;
	v22 =	vld [tilespmem:s16+$0xFFFFFFA0]  }
0x2aa: {  	v19 =	vmin.u32 v19, $0x7FF;
	v24 =	vnsel vm0, $0x0, v18;
	v25 =	vnsel vm13, $0x0, v11;
	v23 =	vld [tilespmem:s16+$0xFFFFFFB0]  }
0x2ab: {  	v14 =	vmin.u32 v14, $0x7FF;
	v18 =	vmin.u32 v5, $0x7FF;
	v26 =	vmin.u32 v6, $0x7FF;
	v11 =	vld [tilespmem:s16+$0xFFFFFFC0]  }
0x2ac: {  	v27 =	vmin.u32 v8, $0x7FF;
	v5 =	vld [tilespmem:s16+$0xFFFFFFD0];
	v6 =	vsub.f32 v20, v2;
	v20 =	vmin.u32 v7, $0x7FF  }
0x2ad: {  	v28 =	vmin.u32 v10, $0x7FF;
	v7 =	vsub.f32 v21, v2;
	v8 =	vld [tilespmem:s16+$0xFFFFFFE0];
	v21 =	vmin.u32 v9, $0x7FF  }
0x2ae: {  	v9 =	vsub.f32 v22, v2;
	v10 =	vld [tilespmem:s16+$0xFFFFFFF0];
	v6 =	vmul.f32 v6, v3;
	v22 =	vmin.u32 v12, $0x7FF  }
0x2af: {  	v29 =	vmin.u32 v13, $0x7FF;
	v7 =	vmul.f32 v7, v3;
	v12 =	vsub.f32 v23, v2;
	v23 =	vld [tilespmem:s16+$0x0]  }
0x2b0: {  	v9 =	vmul.f32 v9, v3;
	v11 =	vsub.f32 v11, v2;
	v13 =	vld [tilespmem:s16+$0x10];
	v6 =	vtrunc.f32 v6  }
0x2b1: {  	v12 =	vmul.f32 v12, v3;
	v5 =	vsub.f32 v5, v2;
	v30 =	vld [tilespmem:s16+$0x20];
	v6 =	vcvt.f32.s32 v6  }
0x2b2: {  	v31 =	vtrunc.f32 v7;
	v7 =	vmul.f32 v11, v3;
	v8 =	vsub.f32 v8, v2;
	v11 =	vld [tilespmem:s16+$0x30]  }
0x2b3: {  	v32 =	vmul.f32 v5, v3;
	v5 =	vsub.f32 v10, v2;
	v10 =	vld [tilespmem:s16+$0x40];
	vm0 =	vgt.s32 v6, $0x0  }
0x2b4: {  	v33 =	vmul.f32 v8, v3;
	v8 =	vsub.f32 v23, v2;
	v23 =	vld [tilespmem:s16+$0x50];
	v6 =	vnsel vm0, $0x0, v6  }
0x2b5: {  	v34 =	vmul.f32 v5, v3;
	v13 =	vsub.f32 v13, v2;
	v35 =	vld [tilespmem:s16+$0x60];
	v36 =	vmin.u32 v6, $0x7FF  }
0x2b6: {  	v5 =	vtrunc.f32 v9;
	v37 =	vld [tilespmem:s16+$0xFFFFFF80];
	v38 =	vmul.f32 v8, v3;
	v8 =	vsub.f32 v30, v2  }
0x2b7: {  	v6 =	vtrunc.f32 v12;
	v13 =	vmul.f32 v13, v3;
	v9 =	vsub.f32 v11, v2;
	[tilespmem:v19+s22+$0x0] =	vst.idx.add.f32.msk $0xffff, v1  }
0x2b8: {  	v7 =	vtrunc.f32 v7;
	v11 =	vmul.f32 v8, v3;
	v10 =	vsub.f32 v10, v2;
	[tilespmem:v14+s22+$0x0] =	vst.idx.add.f32.msk $0xffff, v1  }
0x2b9: {  	v8 =	vtrunc.f32 v32;
	v14 =	vmul.f32 v9, v3;
	v12 =	vsub.f32 v23, v2;
	[tilespmem:v18+s22+$0x0] =	vst.idx.add.f32.msk $0xffff, v1  }
0x2ba: {  	s6 =	simm.s32 $0x3840;
	s13 =	simm.s32 $0x3040;
	v9 =	vtrunc.f32 v33;
	v23 =	vmul.f32 v10, v3;
	v18 =	vsub.f32 v35, v2;
	[tilespmem:v36+s22+$0x0] =	vst.idx.add.f32.msk $0xffff, v1  }
0x2bb: {  	v10 =	vtrunc.f32 v34;
	v19 =	vsub.f32 v37, v2;
	v30 =	vmul.f32 v12, v3;
	[tilespmem:v26+s22+$0x0] =	vst.idx.add.f32.msk $0xffff, v1  }
0x2bc: {  	v12 =	vtrunc.f32 v38;
	v26 =	vmul.f32 v18, v3;
	[tilespmem:v20+s22+$0x0] =	vst.idx.add.f32.msk $0xffff, v1;
	v18 =	vmin.u32 v15, $0x7FF  }
.Ltmp9:
0x2bd: {  	v13 =	vtrunc.f32 v13;
	v32 =	vmul.f32 v19, v3;
	[tilespmem:v27+s22+$0x0] =	vst.idx.add.f32.msk $0xffff, v1;
	v19 =	vmin.u32 v16, $0x7FF;
	(pc) =	sbr.rel @p1 .LBB2_21-.Ltmp9, $4  }
0x2be: {  	v15 =	vtrunc.f32 v11;
	v20 =	vmin.u32 v17, $0x7FF;
	v16 =	vtrunc.f32 v14;
	[tilespmem:v21+s22+$0x0] =	vst.idx.add.f32.msk $0xffff, v1  }
0x2bf: {  	v17 =	vtrunc.f32 v23;
	v21 =	vmin.u32 v24, $0x7FF;
	v14 =	vtrunc.f32 v32;
	[tilespmem:v28+s22+$0x0] =	vst.idx.add.f32.msk $0xffff, v1  }
0x2c0: {  	v23 =	vtrunc.f32 v30;
	v11 =	vtrunc.f32 v26;
	[tilespmem:v22+s22+$0x0] =	vst.idx.add.f32.msk $0xffff, v1;
	v22 =	vmin.u32 v25, $0x7FF  }
0x2c1: {  	v24 =	vcvt.f32.s32 v14;
	v14 =	vcvt.f32.s32 v31;
	[tilespmem:v29+s22+$0x0] =	vst.idx.add.f32.msk $0xffff, v1  }
0x2c2: {  	v2 =	vcvt.f32.s32 v5;
	v3 =	vcvt.f32.s32 v6  }
0x2c3: {  	v5 =	vcvt.f32.s32 v7;
	v6 =	vcvt.f32.s32 v8  }
0x2c4: {  	v7 =	vcvt.f32.s32 v9;
	v8 =	vcvt.f32.s32 v10  }
0x2c5: {  	v9 =	vcvt.f32.s32 v12;
	v10 =	vcvt.f32.s32 v13  }
0x2c6: {  	v58 =	vcvt.f32.s32 v15;
	v59 =	vcvt.f32.s32 v16  }
0x2c7: {  	v61 =	vcvt.f32.s32 v17;
	v62 =	vcvt.f32.s32 v23;
	vm0 =	vgt.s32 v24, $0x0  }
0x2c8: {  	v11 =	vcvt.f32.s32 v11;
	vm1 =	vgt.s32 v14, $0x0;
	v60 =	vnsel vm0, $0x0, v24  }
0x2c9: {  	[tilespmem:v18+s22+$0x0] =	vst.idx.add.f32.msk $0xffff, v1;
	vm2 =	vgt.s32 v2, $0x0;
	v14 =	vnsel vm1, $0x0, v14;
	v15 =	vmin.u32 v60, $0x7FF  }
0x2ca: {  	[tilespmem:v19+s22+$0x0] =	vst.idx.add.f32.msk $0xffff, v1;
	vm3 =	vgt.s32 v3, $0x0;
	v2 =	vnsel vm2, $0x0, v2;
	v14 =	vmin.u32 v14, $0x7FF  }
0x2cb: {  	[tilespmem:v20+s22+$0x0] =	vst.idx.add.f32.msk $0xffff, v1;
	vm4 =	vgt.s32 v5, $0x0;
	v3 =	vnsel vm3, $0x0, v3;
	v2 =	vmin.u32 v2, $0x7FF  }
0x2cc: {  	[tilespmem:v21+s22+$0x0] =	vst.idx.add.f32.msk $0xffff, v1;
	vm6 =	vgt.s32 v6, $0x0;
	v5 =	vnsel vm4, $0x0, v5;
	v3 =	vmin.u32 v3, $0x7FF  }
0x2cd: {  	[tilespmem:v22+s22+$0x0] =	vst.idx.add.f32.msk $0xffff, v1;
	vm7 =	vgt.s32 v7, $0x0;
	v6 =	vnsel vm6, $0x0, v6;
	v5 =	vmin.u32 v5, $0x7FF  }
0x2ce: {  	vm8 =	vgt.s32 v8, $0x0;
	v7 =	vnsel vm7, $0x0, v7;
	v6 =	vmin.u32 v6, $0x7FF;
	[tilespmem:v15+s22+$0x0] =	vst.idx.add.f32.msk $0xffff, v1  }
0x2cf: {  	vm9 =	vgt.s32 v9, $0x0;
	v8 =	vnsel vm8, $0x0, v8;
	v7 =	vmin.u32 v7, $0x7FF;
	[tilespmem:v14+s22+$0x0] =	vst.idx.add.f32.msk $0xffff, v1  }
0x2d0: {  	vm10 =	vgt.s32 v10, $0x0;
	v9 =	vnsel vm9, $0x0, v9;
	v8 =	vmin.u32 v8, $0x7FF;
	[tilespmem:v2+s22+$0x0] =	vst.idx.add.f32.msk $0xffff, v1  }
0x2d1: {  	vm11 =	vgt.s32 v58, $0x0;
	v9 =	vmin.u32 v9, $0x7FF;
	v2 =	vnsel vm10, $0x0, v10;
	[tilespmem:v3+s22+$0x0] =	vst.idx.add.f32.msk $0xffff, v1  }
0x2d2: {  	vm12 =	vgt.s32 v59, $0x0;
	v3 =	vnsel vm11, $0x0, v58;
	[tilespmem:v5+s22+$0x0] =	vst.idx.add.f32.msk $0xffff, v1;
	v2 =	vmin.u32 v2, $0x7FF  }
0x2d3: {  	vm13 =	vgt.s32 v61, $0x0;
	v5 =	vnsel vm12, $0x0, v59;
	[tilespmem:v6+s22+$0x0] =	vst.idx.add.f32.msk $0xffff, v1;
	v3 =	vmin.u32 v3, $0x7FF  }
0x2d4: {  	vm14 =	vgt.s32 v62, $0x0;
	v6 =	vnsel vm13, $0x0, v61;
	[tilespmem:v7+s22+$0x0] =	vst.idx.add.f32.msk $0xffff, v1;
	v5 =	vmin.u32 v5, $0x7FF  }
0x2d5: {  	vm15 =	vgt.s32 v11, $0x0;
	v7 =	vnsel vm14, $0x0, v62;
	[tilespmem:v8+s22+$0x0] =	vst.idx.add.f32.msk $0xffff, v1;
	v6 =	vmin.u32 v6, $0x7FF  }
0x2d6: {  	v8 =	vnsel vm15, $0x0, v11;
	[tilespmem:v9+s22+$0x0] =	vst.idx.add.f32.msk $0xffff, v1;
	v7 =	vmin.u32 v7, $0x7FF  }
0x2d7: {  	v8 =	vmin.u32 v8, $0x7FF;
	[tilespmem:v2+s22+$0x0] =	vst.idx.add.f32.msk $0xffff, v1  }
0x2d8: {  	[tilespmem:v3+s22+$0x0] =	vst.idx.add.f32.msk $0xffff, v1  }
0x2d9: {  	[tilespmem:v5+s22+$0x0] =	vst.idx.add.f32.msk $0xffff, v1  }
0x2da: {  	[tilespmem:v6+s22+$0x0] =	vst.idx.add.f32.msk $0xffff, v1  }
0x2db: {  	[tilespmem:v7+s22+$0x0] =	vst.idx.add.f32.msk $0xffff, v1  }
0x2dc: {  	[tilespmem:v8+s22+$0x0] =	vst.idx.add.f32.msk $0xffff, v1  }
0x2dd: {  	v2 =	vld [tilespmem:s6+$0xFFFFFFC0];
	_ =	sdelay $0x1  }
0x2de: {  	v3 =	vld [tilespmem:s6+$0xFFFFFFD0];
	_ =	sdelay $0x1  }
0x2df: {  	v5 =	vld [tilespmem:s6+$0xFFFFFFE0]  }
0x2e0: {  	v6 =	vld [tilespmem:s6+$0xFFFFFFF0];
	v2 =	vadd.f32 $-3.200000000e+01, v2;
	_ =	sdelay $0x1  }
0x2e1: {  	v7 =	vld [tilespmem:s6+$0x0];
	v3 =	vadd.f32 $-3.200000000e+01, v3;
	v2 =	vmul.f32 $1.442695020e+00, v2;
	_ =	sdelay $0x1  }
0x2e2: {  	v5 =	vadd.f32 $-3.200000000e+01, v5;
	v3 =	vmul.f32 $1.442695020e+00, v3;
	(erf) = vpow2.f32 v2  }
0x2e3: {  	v6 =	vadd.f32 $-3.200000000e+01, v6;
	v2 =	vld [tilespmem:s6+$0x10]  }
0x2e4: {  	v8 =	vld [tilespmem:s6+$0x20];
	v5 =	vmul.f32 $1.442695020e+00, v5;
	(erf) = vpow2.f32 v3  }
0x2e5: {  	v6 =	vmul.f32 $1.442695020e+00, v6;
	v3 =	vadd.f32 $-3.200000000e+01, v7  }
0x2e6: {  	(erf) = vpow2.f32 v5  }
0x2e7: {  	v3 =	vmul.f32 $1.442695020e+00, v3;
	(erf) = vpow2.f32 v6;
	v6 =	vld [tilespmem:s6+$0x30]  }
0x2e8: {  	s17 =	simm.s32 $0x38C0;
	v2 =	vadd.f32 $-3.200000000e+01, v2  }
0x2e9: {  	v5 =	vadd.f32 $-3.200000000e+01, v8;
	(erf) = vpow2.f32 v3;
	v3 =	vld [tilespmem:s17+$0xFFFFFFC0]  }
0x2ea: {  	v8 =	vld [tilespmem:s17+$0xFFFFFFD0];
	v2 =	vmul.f32 $1.442695020e+00, v2  }
0x2eb: {  	v5 =	vmul.f32 $1.442695020e+00, v5;
	v7 =	vpop (erf)  }
0x2ec: {  	v6 =	vadd.f32 $-3.200000000e+01, v6;
	(erf) = vpow2.f32 v2;
	v2 =	vld [tilespmem:s17+$0xFFFFFFE0];
	v4 =	vadd.f32 v7, v4  }
0x2ed: {  	v9 =	vpop (erf);
	(erf) = vpow2.f32 v5  }
0x2ee: {  	v5 =	vld [tilespmem:s17+$0xFFFFFFF0];
	v3 =	vadd.f32 $-3.200000000e+01, v3;
	v6 =	vmul.f32 $1.442695020e+00, v6;
	v4 =	vadd.f32 v9, v4  }
0x2ef: {  	[tilespmem:s13+$0xFFFFFFC0] =	vst v7;
	v7 =	vadd.f32 $-3.200000000e+01, v8;
	v10 =	vpop (erf)  }
0x2f0: {  	v8 =	vpop (erf);
	v3 =	vmul.f32 $1.442695020e+00, v3;
	(erf) = vpow2.f32 v6;
	v4 =	vadd.f32 v10, v4  }
0x2f1: {  	v11 =	vld [tilespmem:s17+$0x0];
	v6 =	vmul.f32 $1.442695020e+00, v7;
	v2 =	vadd.f32 $-3.200000000e+01, v2  }
0x2f2: {  	v63 =	vld [tilespmem:s17+$0x10];
	(erf) = vpow2.f32 v3;
	v4 =	vadd.f32 v8, v4  }
0x2f3: {  	[tilespmem:s13+$0xFFFFFFD0] =	vst v9;
	v7 =	vadd.f32 $-3.200000000e+01, v5;
	v5 =	vpop (erf);
	v2 =	vmul.f32 $1.442695020e+00, v2  }
0x2f4: {  	[tilespmem:s13+$0xFFFFFFF0] =	vst v8;
	v3 =	vld [tilespmem:s17+$0x20];
	(erf) = vpow2.f32 v6;
	v8 =	vadd.f32 v5, v4  }
0x2f5: {  	[tilespmem:s13+$0xFFFFFFE0] =	vst v10;
	v7 =	vmul.f32 $1.442695020e+00, v7;
	v6 =	vpop (erf)  }
0x2f6: {  	[tilespmem:s13+$0x0] =	vst v5;
	v5 =	vadd.f32 $-3.200000000e+01, v11;
	v4 =	vld [tilespmem:s17+$0x30];
	(erf) = vpow2.f32 v2;
	v8 =	vadd.f32 v6, v8  }
0x2f7: {  	s1 =	simm.s32 $0x80;
	s6 =	simm.s32 $0x3940;
	[tilespmem:s13+$0x10] =	vst v6;
	v6 =	vadd.f32 $-3.200000000e+01, v63;
	v2 =	vpop (erf)  }
.LBB2_23:
0x2f8: {  	v9 =	vld [tilespmem:s6+$0xFFFFFFC0];
	v10 =	vmul.f32 $1.442695020e+00, v5;
	(erf) = vpow2.f32 v7;
	[tilespmem:s13+$0x20] =	vst v2;
	v2 =	vadd.f32 v2, v8  }
0x2f9: {  	s1 =	sadd.s32 $0x80, s1;
	v3 =	vadd.f32 $-3.200000000e+01, v3;
	v7 =	vpop (erf)  }
0x2fa: {  	p1 =	slt.u32 s1, $0x780;
	v11 =	vmul.f32 $1.442695020e+00, v6;
	v8 =	vld [tilespmem:s6+$0xFFFFFFD0];
	(erf) = vpow2.f32 v10;
	[tilespmem:s13+$0x30] =	vst v7;
	v2 =	vadd.f32 v7, v2  }
0x2fb: {  	s13 =	sadd.s32 $0x80, s13;
	v4 =	vadd.f32 $-3.200000000e+01, v4;
	v5 =	vpop (erf)  }
0x2fc: {  	v3 =	vmul.f32 $1.442695020e+00, v3;
	v7 =	vld [tilespmem:s6+$0xFFFFFFE0];
	[tilespmem:s13+$0xFFFFFFC0] =	vst v5;
	v2 =	vadd.f32 v5, v2;
	(erf) = vpow2.f32 v11  }
0x2fd: {  	v5 =	vadd.f32 $-3.200000000e+01, v9;
	v6 =	vpop (erf)  }
0x2fe: {  	v4 =	vmul.f32 $1.442695020e+00, v4;
	v9 =	vld [tilespmem:s6+$0xFFFFFFF0];
	[tilespmem:s13+$0xFFFFFFD0] =	vst v6;
	v2 =	vadd.f32 v6, v2;
	(erf) = vpow2.f32 v3  }
0x2ff: {  	v3 =	vadd.f32 $-3.200000000e+01, v8;
	v6 =	vpop (erf)  }
0x300: {  	v11 =	vmul.f32 $1.442695020e+00, v5;
	v8 =	vld [tilespmem:s6+$0x0];
	[tilespmem:s13+$0xFFFFFFE0] =	vst v6;
	v2 =	vadd.f32 v6, v2;
	(erf) = vpow2.f32 v4  }
0x301: {  	v4 =	vadd.f32 $-3.200000000e+01, v7;
	v6 =	vpop (erf)  }
0x302: {  	v7 =	vmul.f32 $1.442695020e+00, v3;
	v10 =	vld [tilespmem:s6+$0x10];
	(erf) = vpow2.f32 v11;
	[tilespmem:s13+$0xFFFFFFF0] =	vst v6;
	v2 =	vadd.f32 v6, v2  }
.Ltmp10:
0x303: {  	v6 =	vadd.f32 $-3.200000000e+01, v9;
	v5 =	vpop (erf);
	(pc) =	sbr.rel @p1 .LBB2_23-.Ltmp10, $4  }
0x304: {  	v9 =	vmul.f32 $1.442695020e+00, v4;
	v3 =	vld [tilespmem:s6+$0x20];
	(erf) = vpow2.f32 v7;
	[tilespmem:s13+$0x0] =	vst v5;
	v11 =	vadd.f32 v5, v2  }
0x305: {  	v5 =	vadd.f32 $-3.200000000e+01, v8;
	v8 =	vpop (erf)  }
0x306: {  	v7 =	vmul.f32 $1.442695020e+00, v6;
	v4 =	vld [tilespmem:s6+$0x30];
	(erf) = vpow2.f32 v9;
	[tilespmem:s13+$0x10] =	vst v8;
	v8 =	vadd.f32 v8, v11  }
0x307: {  	s6 =	sadd.s32 $0x80, s6;
	v6 =	vadd.f32 $-3.200000000e+01, v10;
	v2 =	vpop (erf)  }
0x308: {  	(erf) = vpow2.f32 v7;
	v7 =	vadd.f32 v2, v8  }
0x309: {  	v5 =	vmul.f32 $1.442695020e+00, v5  }
0x30a: {  	v3 =	vadd.f32 $-3.200000000e+01, v3;
	v63 =	vpop (erf);
	v6 =	vmul.f32 $1.442695020e+00, v6  }
0x30b: {  	(erf) = vpow2.f32 v5;
	v5 =	vadd.f32 v63, v7  }
0x30c: {  	v3 =	vmul.f32 $1.442695020e+00, v3;
	v7 =	vpop (erf)  }
0x30d: {  	v5 =	vadd.f32 v7, v5  }
0x30e: {  	v4 =	vadd.f32 $-3.200000000e+01, v4;
	(erf) = vpow2.f32 v6;
	v6 =	vpop (erf)  }
0x30f: {  	v5 =	vadd.f32 v6, v5  }
0x310: {  	v4 =	vmul.f32 $1.442695020e+00, v4;
	(erf) = vpow2.f32 v3;
	v3 =	vpop (erf)  }
0x311: {  	v5 =	vadd.f32 v3, v5  }
0x312: {  	(erf) = vpow2.f32 v4  }
0x313: {  	v9 =	vpop (erf)  }
0x314: {  	v4 =	vadd.f32 v9, v5  }
0x315: {  	v5 =	vpop (erf)  }
0x316: {  	v4 =	vadd.f32 v5, v4  }
0x317: {  	v10 =	vpop (erf)  }
0x318: {  	v4 =	vadd.f32 v10, v4  }
0x319: {  	v11 =	vpop (erf)  }
0x31a: {  	v4 =	vadd.f32 v11, v4  }
0x31b: {  	v12 =	vpop (erf)  }
0x31c: {  	v4 =	vadd.f32 v12, v4;
	_ =	sdelay $0x1  }
0x31d: {  	(xrf2) =	vadd.scan.msk.f32 $0xffff, v4;
	_ =	sdelay $0x9  }
0x31e: {  	v4, _, _ =	vpop (xrf2)  }
0x31f: {  	v13 =	vbroadcast v4, $0xF;
	_ =	sdelay $0x1  }
0x320: {  	v4 =	vimm.f32 $0.0e+00;
	vm0 =	vge.f32 v13, $3.000000010e+38  }
0x321: {  	v14 =	vsel vm0, $0x3F800000, v4  }
0x322: {  	(xrf0) =	vmax.scan.msk.f32 $0xffff, v14;
	_ =	sdelay $0x5  }
0x323: {  	v14, _, _ =	vpop (xrf0)  }
0x324: {  	(v2sf) =	vpush v14, $0xF;
	_ =	sdelay $0xa  }
0x325: {  	[tilespmem:s13+$0x20] =	vst v2;
	(erf) = vrcp.f32 v13  }
0x326: {  	s1 =	sadd.s32 $0x80, s13;
	[tilespmem:s13+$0x30] =	vst v63  }
0x327: {  	[tilespmem:s1+$0xFFFFFFC0] =	vst v7  }
0x328: {  	[tilespmem:s1+$0xFFFFFFD0] =	vst v6  }
0x329: {  	[tilespmem:s1+$0xFFFFFFE0] =	vst v3;
	s6 =	spop (v2sf)  }
0x32a: {  	[tilespmem:s1+$0xFFFFFFF0] =	vst v9;
	p1 =	sgt.f32 s6, $0.0e+00  }
.Ltmp11:
0x32b: {  	[tilespmem:s1+$0x0] =	vst v5;
	(pc) =	sbr.rel @!p1 .LBB2_30-.Ltmp11, $4  }
0x32c: {  	[tilespmem:s1+$0x10] =	vst v10  }
0x32d: {  	[tilespmem:s1+$0x20] =	vst v11  }
0x32e: {  	[tilespmem:s1+$0x30] =	vst v12;
	v2 =	vpop (erf)  }
0x32f: {  	[tilespmem:$0x5000] =	vst v2  }
0x330: {  	s6 =	simm.s32 $0x3840  }
0x331: {  	v5 =	vld [tilespmem:s6+$0xFFFFFFC0]  }
0x332: {  	v6 =	vld [tilespmem:s6+$0xFFFFFFD0]  }
0x333: {  	v7 =	vld [tilespmem:s6+$0xFFFFFFE0]  }
0x334: {  	v3 =	vld [tilespmem:s6+$0xFFFFFFF0]  }
0x335: {  	v2 =	vld [tilespmem:s6+$0x0]  }
0x336: {  	v5 =	vmax.f32 v4, v5;
	v4 =	vld [tilespmem:s6+$0x10]  }
0x337: {  	v6 =	vmax.f32 v5, v6;
	v5 =	vld [tilespmem:s6+$0x20]  }
0x338: {  	s1 =	simm.s32 $0x0;
	v7 =	vmax.f32 v6, v7;
	v6 =	vld [tilespmem:s6+$0x30];
	s6 =	simm.s32 $0x38C0  }
.LBB2_26:
0x339: {  	v8 =	vld [tilespmem:s6+$0xFFFFFFC0];
	s1 =	sadd.s32 $0x80, s1;
	v3 =	vmax.f32 v7, v3  }
0x33a: {  	v7 =	vld [tilespmem:s6+$0xFFFFFFD0];
	p1 =	slt.u32 s1, $0x780;
	v2 =	vmax.f32 v3, v2  }
0x33b: {  	v9 =	vld [tilespmem:s6+$0xFFFFFFE0];
	v2 =	vmax.f32 v2, v4  }
.Ltmp12:
0x33c: {  	v3 =	vld [tilespmem:s6+$0xFFFFFFF0];
	v4 =	vmax.f32 v2, v5;
	(pc) =	sbr.rel @p1 .LBB2_26-.Ltmp12, $4  }
0x33d: {  	v2 =	vld [tilespmem:s6+$0x0];
	v4 =	vmax.f32 v4, v6  }
0x33e: {  	v5 =	vmax.f32 v4, v8;
	v4 =	vld [tilespmem:s6+$0x10]  }
0x33f: {  	v6 =	vmax.f32 v5, v7;
	v5 =	vld [tilespmem:s6+$0x20]  }
0x340: {  	v7 =	vmax.f32 v6, v9;
	v6 =	vld [tilespmem:s6+$0x30];
	s6 =	sadd.s32 $0x80, s6  }
0x341: {  	v3 =	vmax.f32 v7, v3  }
0x342: {  	v2 =	vmax.f32 v3, v2  }
0x343: {  	v2 =	vmax.f32 v2, v4  }
0x344: {  	v2 =	vmax.f32 v2, v5  }
0x345: {  	v2 =	vmax.f32 v2, v6  }
0x346: {  	(xrf0) =	vmax.scan.msk.f32 $0xffff, v2;
	_ =	sdelay $0x2  }
0x347: {  	s1 =	simm.s32 $0x3840  }
0x348: {  	v3 =	vld [tilespmem:s1+$0xFFFFFFC0];
	_ =	sdelay $0x1  }
0x349: {  	v4 =	vld [tilespmem:s1+$0xFFFFFFD0];
	v2, _, _ =	vpop (xrf0)  }
0x34a: {  	v2 =	vbroadcast v2, $0xF  }
0x34b: {  	v5 =	vld [tilespmem:s1+$0xFFFFFFE0]  }
0x34c: {  	v6 =	vld [tilespmem:s1+$0xFFFFFFF0];
	v3 =	vsub.f32 v3, v2;
	_ =	sdelay $0x1  }
0x34d: {  	v4 =	vsub.f32 v4, v2;
	v3 =	vmul.f32 $1.442695020e+00, v3  }
0x34e: {  	v7 =	vld [tilespmem:s1+$0x0]  }
0x34f: {  	v5 =	vsub.f32 v5, v2;
	v4 =	vmul.f32 $1.442695020e+00, v4;
	(erf) = vpow2.f32 v3  }
0x350: {  	v6 =	vsub.f32 v6, v2;
	v3 =	vld [tilespmem:s1+$0x10]  }
0x351: {  	v8 =	vld [tilespmem:s1+$0x20];
	v5 =	vmul.f32 $1.442695020e+00, v5;
	(erf) = vpow2.f32 v4  }
0x352: {  	v6 =	vmul.f32 $1.442695020e+00, v6  }
0x353: {  	v4 =	vsub.f32 v7, v2;
	(erf) = vpow2.f32 v5  }
0x354: {  	s8 =	simm.s32 $0x38C0;
	(erf) = vpow2.f32 v6;
	v6 =	vld [tilespmem:s1+$0x30]  }
0x355: {  	v7 =	vld [tilespmem:s8+$0xFFFFFFC0];
	v4 =	vmul.f32 $1.442695020e+00, v4;
	v3 =	vsub.f32 v3, v2  }
0x356: {  	v5 =	vsub.f32 v8, v2  }
0x357: {  	v9 =	vld [tilespmem:s8+$0xFFFFFFD0];
	(erf) = vpow2.f32 v4;
	v3 =	vmul.f32 $1.442695020e+00, v3  }
0x358: {  	v5 =	vmul.f32 $1.442695020e+00, v5;
	v4 =	vimm.f32 $0.0e+00;
	v8 =	vpop (erf)  }
0x359: {  	v6 =	vsub.f32 v6, v2;
	(erf) = vpow2.f32 v3;
	v4 =	vadd.f32 v8, v4  }
0x35a: {  	v7 =	vsub.f32 v7, v2;
	v3 =	vld [tilespmem:s8+$0xFFFFFFE0];
	v10 =	vpop (erf)  }
0x35b: {  	s1 =	simm.s32 $0x3040;
	(erf) = vpow2.f32 v5;
	v5 =	vld [tilespmem:s8+$0xFFFFFFF0];
	v6 =	vmul.f32 $1.442695020e+00, v6;
	v4 =	vadd.f32 v10, v4  }
0x35c: {  	[tilespmem:s1+$0xFFFFFFC0] =	vst v8;
	v8 =	vsub.f32 v9, v2;
	v11 =	vpop (erf)  }
0x35d: {  	v12 =	vld [tilespmem:s8+$0x0];
	v7 =	vmul.f32 $1.442695020e+00, v7;
	v9 =	vpop (erf);
	(erf) = vpow2.f32 v6;
	v4 =	vadd.f32 v11, v4  }
0x35e: {  	v6 =	vmul.f32 $1.442695020e+00, v8  }
0x35f: {  	v13 =	vld [tilespmem:s8+$0x10];
	(erf) = vpow2.f32 v7;
	v3 =	vsub.f32 v3, v2;
	v4 =	vadd.f32 v9, v4  }
0x360: {  	[tilespmem:s1+$0xFFFFFFD0] =	vst v10;
	v8 =	vpop (erf);
	v5 =	vsub.f32 v5, v2  }
0x361: {  	[tilespmem:s1+$0xFFFFFFF0] =	vst v9;
	(erf) = vpow2.f32 v6;
	v7 =	vmul.f32 $1.442695020e+00, v3;
	v3 =	vld [tilespmem:s8+$0x20];
	v9 =	vadd.f32 v8, v4  }
0x362: {  	[tilespmem:s1+$0xFFFFFFE0] =	vst v11;
	v6 =	vsub.f32 v12, v2;
	v10 =	vpop (erf)  }
0x363: {  	[tilespmem:s1+$0x0] =	vst v8;
	v8 =	vmul.f32 $1.442695020e+00, v5;
	v4 =	vld [tilespmem:s8+$0x30];
	(erf) = vpow2.f32 v7;
	v9 =	vadd.f32 v10, v9  }
0x364: {  	s6 =	simm.s32 $0x80;
	v7 =	vsub.f32 v13, v2;
	s8 =	simm.s32 $0x3940;
	[tilespmem:s1+$0x10] =	vst v10;
	v5 =	vpop (erf)  }
.LBB2_28:
0x365: {  	v10 =	vld [tilespmem:s8+$0xFFFFFFC0];
	v11 =	vmul.f32 $1.442695020e+00, v6;
	(erf) = vpow2.f32 v8;
	[tilespmem:s1+$0x20] =	vst v5;
	v5 =	vadd.f32 v5, v9  }
0x366: {  	s6 =	sadd.s32 $0x80, s6;
	v3 =	vsub.f32 v3, v2;
	v8 =	vpop (erf)  }
0x367: {  	p1 =	slt.u32 s6, $0x780;
	v12 =	vmul.f32 $1.442695020e+00, v7;
	v9 =	vld [tilespmem:s8+$0xFFFFFFD0];
	(erf) = vpow2.f32 v11;
	[tilespmem:s1+$0x30] =	vst v8;
	v5 =	vadd.f32 v8, v5  }
0x368: {  	s1 =	sadd.s32 $0x80, s1;
	v4 =	vsub.f32 v4, v2;
	v6 =	vpop (erf)  }
0x369: {  	v3 =	vmul.f32 $1.442695020e+00, v3;
	v8 =	vld [tilespmem:s8+$0xFFFFFFE0];
	[tilespmem:s1+$0xFFFFFFC0] =	vst v6;
	v5 =	vadd.f32 v6, v5;
	(erf) = vpow2.f32 v12  }
0x36a: {  	v6 =	vsub.f32 v10, v2;
	v7 =	vpop (erf)  }
0x36b: {  	v4 =	vmul.f32 $1.442695020e+00, v4;
	v10 =	vld [tilespmem:s8+$0xFFFFFFF0];
	[tilespmem:s1+$0xFFFFFFD0] =	vst v7;
	v5 =	vadd.f32 v7, v5;
	(erf) = vpow2.f32 v3  }
0x36c: {  	v3 =	vsub.f32 v9, v2;
	v7 =	vpop (erf)  }
0x36d: {  	v12 =	vmul.f32 $1.442695020e+00, v6;
	v9 =	vld [tilespmem:s8+$0x0];
	[tilespmem:s1+$0xFFFFFFE0] =	vst v7;
	v5 =	vadd.f32 v7, v5;
	(erf) = vpow2.f32 v4  }
0x36e: {  	v4 =	vsub.f32 v8, v2;
	v7 =	vpop (erf)  }
0x36f: {  	v8 =	vmul.f32 $1.442695020e+00, v3;
	v11 =	vld [tilespmem:s8+$0x10];
	(erf) = vpow2.f32 v12;
	[tilespmem:s1+$0xFFFFFFF0] =	vst v7;
	v5 =	vadd.f32 v7, v5  }
.Ltmp13:
0x370: {  	v7 =	vsub.f32 v10, v2;
	v6 =	vpop (erf);
	(pc) =	sbr.rel @p1 .LBB2_28-.Ltmp13, $4  }
0x371: {  	v10 =	vmul.f32 $1.442695020e+00, v4;
	v3 =	vld [tilespmem:s8+$0x20];
	(erf) = vpow2.f32 v8;
	[tilespmem:s1+$0x0] =	vst v6;
	v12 =	vadd.f32 v6, v5  }
0x372: {  	v6 =	vsub.f32 v9, v2;
	v9 =	vpop (erf)  }
0x373: {  	v8 =	vmul.f32 $1.442695020e+00, v7;
	v4 =	vld [tilespmem:s8+$0x30];
	(erf) = vpow2.f32 v10;
	[tilespmem:s1+$0x10] =	vst v9;
	v9 =	vadd.f32 v9, v12  }
0x374: {  	s8 =	sadd.s32 $0x80, s8;
	v7 =	vsub.f32 v11, v2;
	v5 =	vpop (erf)  }
0x375: {  	v6 =	vmul.f32 $1.442695020e+00, v6;
	(erf) = vpow2.f32 v8;
	v58 =	vadd.f32 v5, v9  }
0x376: {  	v3 =	vsub.f32 v3, v2;
	v59 =	vpop (erf)  }
0x377: {  	v7 =	vmul.f32 $1.442695020e+00, v7;
	(erf) = vpow2.f32 v6;
	v60 =	vadd.f32 v59, v58  }
0x378: {  	v2 =	vsub.f32 v4, v2;
	v61 =	vpop (erf);
	v3 =	vmul.f32 $1.442695020e+00, v3  }
0x379: {  	(erf) = vpow2.f32 v7;
	v6 =	vadd.f32 v61, v60  }
0x37a: {  	v62 =	vpop (erf);
	v2 =	vmul.f32 $1.442695020e+00, v2  }
0x37b: {  	(erf) = vpow2.f32 v3;
	v6 =	vadd.f32 v62, v6  }
0x37c: {  	v3 =	vpop (erf)  }
0x37d: {  	(erf) = vpow2.f32 v2;
	v6 =	vadd.f32 v3, v6  }
0x37e: {  	v2 =	vpop (erf)  }
0x37f: {  	v6 =	vadd.f32 v2, v6  }
0x380: {  	v63 =	vpop (erf)  }
0x381: {  	v6 =	vadd.f32 v63, v6  }
0x382: {  	v10 =	vpop (erf)  }
0x383: {  	v6 =	vadd.f32 v10, v6  }
0x384: {  	v11 =	vpop (erf)  }
0x385: {  	v6 =	vadd.f32 v11, v6  }
0x386: {  	v12 =	vpop (erf)  }
0x387: {  	v6 =	vadd.f32 v12, v6;
	_ =	sdelay $0x1  }
0x388: {  	(xrf2) =	vadd.scan.msk.f32 $0xffff, v6;
	_ =	sdelay $0x9  }
0x389: {  	v6, _, _ =	vpop (xrf2)  }
0x38a: {  	v6 =	vbroadcast v6, $0xF;
	_ =	sdelay $0x1  }
0x38b: {  	[tilespmem:s1+$0x20] =	vst v5;
	(erf) = vrcp.f32 v6  }
0x38c: {  	s17 =	sadd.s32 $0x80, s1;
	[tilespmem:s1+$0x30] =	vst v59  }
0x38d: {  	[tilespmem:s17+$0xFFFFFFC0] =	vst v61  }
0x38e: {  	[tilespmem:s17+$0xFFFFFFD0] =	vst v62  }
0x38f: {  	[tilespmem:s17+$0xFFFFFFE0] =	vst v3  }
0x390: {  	[tilespmem:s17+$0xFFFFFFF0] =	vst v2  }
0x391: {  	[tilespmem:s17+$0x0] =	vst v63  }
0x392: {  	[tilespmem:s17+$0x10] =	vst v10  }
0x393: {  	[tilespmem:s17+$0x20] =	vst v11  }
0x394: {  	[tilespmem:s17+$0x30] =	vst v12;
	v2 =	vpop (erf)  }
0x395: {  	[tilespmem:$0x5000] =	vst v2  }
.LBB2_30:
0x396: {  	s1 =	simm.s32 @!p0 $0x6  }
0x397: {  	_ =	swait.ge @!p0 [sflag:s1], $0x800  }
0x398: {  	[sflag:s1] =	ssyncset.done @!p0 $0x0  }
0x399: {  	s16 =	simm.s32 $0x3040;
	[sflag:s1] =	ssyncadd.s32 @!p0 $0xFFFFF800  }
0x39a: {  	v3 =	vld [tilespmem:s16+$0x30]  }
0x39b: {  	v4 =	vld [tilespmem:s16+$0xFFFFFFD0]  }
0x39c: {  	v5 =	vld [tilespmem:s16+$0xFFFFFFE0]  }
0x39d: {  	s8 =	simm.s32 $0x2840;
	v6 =	vld [tilespmem:s16+$0xFFFFFFF0]  }
0x39e: {  	v7 =	vld [tilespmem:s8+$0x30]  }
0x39f: {  	v8 =	vld [tilespmem:s16+$0x0]  }
0x3a0: {  	v9 =	vld [tilespmem:s16+$0x10]  }
0x3a1: {  	v10 =	vld [tilespmem:s16+$0x20]  }
0x3a2: {  	v11 =	vld [tilespmem:s16+$0xFFFFFFC0]  }
0x3a3: {  	v12 =	vld [tilespmem:s8+$0xFFFFFFC0];
	v3 =	vmul.f32 v3, v2  }
0x3a4: {  	v13 =	vld [tilespmem:s8+$0xFFFFFFD0]  }
0x3a5: {  	v14 =	vld [tilespmem:s8+$0xFFFFFFE0];
	v4 =	vmul.f32 v4, v2;
	vm0 =	vlt.f32 v3, $3.999999900e-04  }
0x3a6: {  	v15 =	vld [tilespmem:s8+$0xFFFFFFF0];
	v3 =	vsel vm0, $0x0, v3  }
0x3a7: {  	v16 =	vld [tilespmem:s8+$0x10];
	vm0 =	vlt.f32 v4, $3.999999900e-04;
	v3 =	vmul.f32 v3, v7;
	v7 =	vmul.f32 v11, v2  }
0x3a8: {  	s6 =	simm.s32 $0x4840;
	v11 =	vld [tilespmem:s8+$0x0];
	v4 =	vsel vm0, $0x0, v4  }
0x3a9: {  	s17 =	simm.s32 $0x30C0;
	s1 =	simm.s32 $0x3840;
	v5 =	vmul.f32 v5, v2;
	[tilespmem:s6+$0x30] =	vst v3;
	vm0 =	vlt.f32 v7, $3.999999900e-04;
	v3 =	vmul.f32 v4, v13;
	v4 =	vld [tilespmem:s8+$0x20]  }
0x3aa: {  	v6 =	vmul.f32 v6, v2;
	v13 =	vld [tilespmem:s17+$0x30];
	[tilespmem:s1+$0x30] =	vst v0;
	v7 =	vsel vm0, $0x0, v7  }
0x3ab: {  	v10 =	vmul.f32 v10, v2;
	vm0 =	vlt.f32 v5, $3.999999900e-04;
	v7 =	vmul.f32 v7, v12;
	v12 =	vld [tilespmem:s17+$0xFFFFFFD0];
	[tilespmem:s6+$0xFFFFFFD0] =	vst v3  }
0x3ac: {  	v3 =	vsel vm0, $0x0, v5;
	v5 =	vmul.f32 v8, v2;
	v8 =	vmul.f32 v9, v2;
	v9 =	vld [tilespmem:s17+$0xFFFFFFE0];
	[tilespmem:s1+$0xFFFFFFD0] =	vst v0  }
0x3ad: {  	s13 =	simm.s32 $0x28C0;
	vm2 =	vlt.f32 v10, $3.999999900e-04;
	vm0 =	vlt.f32 v6, $3.999999900e-04;
	v3 =	vmul.f32 v3, v14;
	v14 =	vld [tilespmem:s17+$0xFFFFFFF0];
	[tilespmem:s6+$0xFFFFFFC0] =	vst v7  }
0x3ae: {  	v10 =	vsel vm2, $0x0, v10;
	v6 =	vsel vm0, $0x0, v6;
	v7 =	vld [tilespmem:s13+$0x30];
	[tilespmem:s1+$0xFFFFFFC0] =	vst v0  }
0x3af: {  	vm0 =	vlt.f32 v5, $3.999999900e-04;
	vm1 =	vlt.f32 v8, $3.999999900e-04;
	v6 =	vmul.f32 v6, v15;
	v15 =	vld [tilespmem:s17+$0x0];
	[tilespmem:s6+$0xFFFFFFE0] =	vst v3  }
0x3b0: {  	v3 =	vmul.f32 v13, v2;
	v5 =	vsel vm0, $0x0, v5;
	v13 =	vld [tilespmem:s17+$0x10];
	v17 =	vmul.f32 v10, v4;
	[tilespmem:s1+$0xFFFFFFE0] =	vst v0  }
0x3b1: {  	v8 =	vsel vm1, $0x0, v8;
	v5 =	vmul.f32 v5, v11;
	[tilespmem:s6+$0xFFFFFFF0] =	vst v6;
	v11 =	vmul.f32 v12, v2;
	v12 =	vld [tilespmem:s17+$0x20]  }
0x3b2: {  	v16 =	vmul.f32 v8, v16;
	vm0 =	vlt.f32 v3, $3.999999900e-04;
	v8 =	vmul.f32 v9, v2;
	v9 =	vld [tilespmem:s17+$0xFFFFFFC0];
	[tilespmem:s1+$0xFFFFFFF0] =	vst v0  }
0x3b3: {  	v19 =	vld [tilespmem:s13+$0xFFFFFFD0];
	[tilespmem:s6+$0x20] =	vst v17;
	v6 =	vsel vm0, $0x0, v3;
	v14 =	vmul.f32 v14, v2;
	vm0 =	vlt.f32 v11, $3.999999900e-04  }
0x3b4: {  	v3 =	vld [tilespmem:s13+$0xFFFFFFC0];
	[tilespmem:s6+$0x0] =	vst v5;
	v7 =	vmul.f32 v6, v7;
	v10 =	vmul.f32 v15, v2;
	v18 =	vsel vm0, $0x0, v11  }
0x3b5: {  	s17 =	simm.s32 $0x48C0;
	[tilespmem:s6+$0x10] =	vst v16;
	v6 =	vld [tilespmem:s13+$0xFFFFFFE0];
	vm0 =	vlt.f32 v8, $3.999999900e-04;
	vm1 =	vlt.f32 v14, $3.999999900e-04;
	v11 =	vmul.f32 v13, v2  }
0x3b6: {  	[tilespmem:s17+$0x30] =	vst v7;
	v5 =	vsel vm0, $0x0, v8;
	v4 =	vsel vm1, $0x0, v14;
	v7 =	vld [tilespmem:s13+$0xFFFFFFF0];
	v12 =	vmul.f32 v12, v2  }
0x3b7: {  	s5 =	sshll.u32 s5, $0x8;
	s9 =	simm.s32 $0x3140;
	[tilespmem:s1+$0x0] =	vst v0;
	vm0 =	vlt.f32 v10, $3.999999900e-04;
	v8 =	vld [tilespmem:s13+$0x0];
	v14 =	vmul.f32 v9, v2;
	vm1 =	vlt.f32 v11, $3.999999900e-04  }
0x3b8: {  	s0 =	sshll.u32 s0, $0x4;
	s5 =	sand.u32 $0x3FF800, s5;
	s16 =	simm.s32 $0x38C0;
	[tilespmem:s1+$0x10] =	vst v0;
	v15 =	vmul.f32 v18, v19;
	v9 =	vsel vm1, $0x0, v11;
	v11 =	vld [tilespmem:s13+$0x10];
	vm1 =	vlt.f32 v12, $3.999999900e-04  }
0x3b9: {  	s0 =	sand.u32 $0x70, s0;
	s8 =	simm.s32 $0x80;
	s6 =	simm.s32 $0x48C0;
	v13 =	vld [tilespmem:s13+$0x20];
	[tilespmem:s16+$0x30] =	vst v0;
	v10 =	vsel vm0, $0x0, v10;
	vm0 =	vlt.f32 v14, $3.999999900e-04;
	v12 =	vsel vm1, $0x0, v12  }
.LBB2_31:
0x3ba: {  	v16 =	vld [tilespmem:s9+$0x30];
	v14 =	vsel vm0, $0x0, v14;
	v5 =	vmul.f32 v5, v6;
	[tilespmem:s1+$0x20] =	vst v0;
	s1 =	smov.u32 s16  }
0x3bb: {  	s8 =	sadd.s32 $0x80, s8;
	v6 =	vld [tilespmem:s9+$0xFFFFFFD0];
	v3 =	vmul.f32 v14, v3;
	[tilespmem:s17+$0xFFFFFFD0] =	vst v15;
	v4 =	vmul.f32 v4, v7  }
0x3bc: {  	p0 =	slt.u32 s8, $0x780;
	v7 =	vld [tilespmem:s9+$0xFFFFFFE0];
	[tilespmem:s16+$0xFFFFFFD0] =	vst v0;
	v8 =	vmul.f32 v10, v8  }
0x3bd: {  	s13 =	sadd.s32 $0x80, s13;
	v10 =	vld [tilespmem:s9+$0xFFFFFFF0];
	[tilespmem:s17+$0xFFFFFFC0] =	vst v3;
	v9 =	vmul.f32 v9, v11  }
0x3be: {  	v11 =	vld [tilespmem:s13+$0x30];
	[tilespmem:s16+$0xFFFFFFC0] =	vst v0;
	v17 =	vmul.f32 v12, v13  }
0x3bf: {  	v12 =	vld [tilespmem:s9+$0x0];
	v3 =	vmul.f32 v16, v2;
	[tilespmem:s17+$0xFFFFFFE0] =	vst v5  }
0x3c0: {  	v5 =	vmul.f32 v6, v2;
	v13 =	vld [tilespmem:s9+$0x10];
	[tilespmem:s16+$0xFFFFFFE0] =	vst v0  }
0x3c1: {  	v6 =	vmul.f32 v7, v2;
	v14 =	vld [tilespmem:s9+$0x20];
	vm0 =	vlt.f32 v3, $3.999999900e-04;
	[tilespmem:s17+$0xFFFFFFF0] =	vst v4  }
0x3c2: {  	v15 =	vld [tilespmem:s9+$0xFFFFFFC0];
	vm1 =	vlt.f32 v5, $3.999999900e-04;
	v4 =	vmul.f32 v10, v2;
	v7 =	vsel vm0, $0x0, v3;
	[tilespmem:s16+$0xFFFFFFF0] =	vst v0  }
0x3c3: {  	v3 =	vld [tilespmem:s13+$0xFFFFFFC0];
	v16 =	vsel vm1, $0x0, v5;
	vm0 =	vlt.f32 v6, $3.999999900e-04;
	v7 =	vmul.f32 v7, v11;
	[tilespmem:s17+$0x0] =	vst v8  }
0x3c4: {  	s17 =	sadd.s32 $0x80, s17;
	v18 =	vld [tilespmem:s13+$0xFFFFFFD0];
	v5 =	vsel vm0, $0x0, v6;
	vm0 =	vlt.f32 v4, $3.999999900e-04;
	v8 =	vmul.f32 v12, v2;
	[tilespmem:s16+$0x0] =	vst v0  }
.Ltmp14:
0x3c5: {  	s16 =	sadd.s32 $0x80, s16;
	v6 =	vld [tilespmem:s13+$0xFFFFFFE0];
	v4 =	vsel vm0, $0x0, v4;
	v11 =	vmul.f32 v13, v2;
	[tilespmem:s17+$0x30] =	vst v7;
	(pc) =	sbr.rel @p0 .LBB2_31-.Ltmp14, $4  }
0x3c6: {  	v7 =	vld [tilespmem:s13+$0xFFFFFFF0];
	vm0 =	vlt.f32 v8, $3.999999900e-04;
	v12 =	vmul.f32 v14, v2;
	[tilespmem:s16+$0x30] =	vst v0  }
0x3c7: {  	v14 =	vmul.f32 v15, v2;
	v10 =	vsel vm0, $0x0, v8;
	v8 =	vld [tilespmem:s13+$0x0];
	vm0 =	vlt.f32 v11, $3.999999900e-04;
	[tilespmem:s6+$0x10] =	vst v9  }
0x3c8: {  	v9 =	vsel vm0, $0x0, v11;
	v11 =	vld [tilespmem:s13+$0x10];
	vm1 =	vlt.f32 v12, $3.999999900e-04;
	[tilespmem:s1+$0x10] =	vst v0  }
0x3c9: {  	s9 =	sadd.s32 $0x80, s9;
	vm0 =	vlt.f32 v14, $3.999999900e-04;
	v15 =	vmul.f32 v16, v18;
	v12 =	vsel vm1, $0x0, v12;
	v13 =	vld [tilespmem:s13+$0x20];
	[tilespmem:s6+$0x20] =	vst v17;
	s6 =	smov.u32 s17  }
0x3ca: {  	v2 =	vsel vm0, $0x0, v14;
	[tilespmem:s1+$0x20] =	vst v0  }
0x3cb: {  	v2 =	vmul.f32 v2, v3;
	[tilespmem:s17+$0xFFFFFFD0] =	vst v15  }
0x3cc: {  	v3 =	vmul.f32 v5, v6;
	[tilespmem:s16+$0xFFFFFFD0] =	vst v0  }
0x3cd: {  	[tilespmem:s17+$0xFFFFFFC0] =	vst v2  }
0x3ce: {  	[tilespmem:s17+$0xFFFFFFE0] =	vst v3  }
0x3cf: {  	v2 =	vmul.f32 v4, v7;
	[tilespmem:s16+$0xFFFFFFC0] =	vst v0  }
0x3d0: {  	v3 =	vmul.f32 v10, v8;
	[tilespmem:s16+$0xFFFFFFE0] =	vst v0  }
0x3d1: {  	[tilespmem:s17+$0xFFFFFFF0] =	vst v2  }
0x3d2: {  	[tilespmem:s17+$0x0] =	vst v3  }
0x3d3: {  	s31 =	sadd.s32 $0x1, s31;
	v2 =	vmul.f32 v9, v11;
	[tilespmem:s16+$0xFFFFFFF0] =	vst v0  }
0x3d4: {  	p0 =	sne.s32 s31, $0x100;
	v3 =	vmul.f32 v12, v13;
	[tilespmem:s16+$0x0] =	vst v0  }
.Ltmp15:
0x3d5: {  	[tilespmem:s6+$0x10] =	vst v2;
	(pc) =	sbr.rel @p0 .LBB2_4-.Ltmp15, $4  }
0x3d6: {  	[tilespmem:s6+$0x20] =	vst v3  }
0x3d7: {  	s0 =	sadd.s32 s4, s0;
	[tilespmem:s16+$0x10] =	vst v0  }
0x3d8: {  	s0 =	sadd.s32 s5, s0;
	[tilespmem:s16+$0x20] =	vst v0  }
0x3d9: {  	[hbm4b:s0+s14] =	stream.strided.scatter [tilespmem:s26], [sflag:$0x6], $0x800, s15, s14, $0x38;
	[tilespmem:$0x5080] =	vst v63  }
0x3da: {  	s30 =	sadd.s32 $0x1, s30  }
0x3db: {  	_ =	swait.ge [sflag:s28], $0x800;
	p0 =	sne.s32 s30, s11  }
.Ltmp16:
0x3dc: {  	[sflag:s28] =	ssyncset.done $0x0;
	(pc) =	sbr.rel @p0 .LBB2_1-.Ltmp16, $4  }
0x3dd: {  	[sflag:s28] =	ssyncadd.s32 $0xFFFFF800  }
0x3de: {  	_ =	swait.ge [sflag:s29], $0x800  }
0x3df: {  	[sflag:s29] =	ssyncset.done $0x0  }
0x3e0: {  	[sflag:s29] =	ssyncadd.s32 $0xFFFFF800  }
0x3e1: {  	_ =	sfence.sel $0x180000  }
0x3e2: {  	[bflag:$0x0] =	sbarrier.arrive $0xFFFF  }
0x3e3: {  	_ =	strace $0x90000047  }
0x3e4: {  	s0 =	stileid.u32;
	[bflag:$0x2] =	sbarrier.arrive $0xFFFF  }
0x3e5: {  	p0 =	sne.s32 s0, $0x0;
	s0 =	rddreg [dreg:$0x4]  }
0x3e6: {  	s0 =	sadd.s32 @!p0 $0x100000, s0  }
0x3e7: {  	[sflag:s0] =	ssyncadd.tile.s32 @!p0 $0x1;
	_ =	shalt  }
.Lfunc_end2:
_tile_overlayer_lowered:
.L_overlay_start_2:
0x3e8: {  	(tag) =	ssettag $0x2  }
0x3e9: {  	s0 =	rddreg [dreg:$0x0];
	s2 =	stileid.u32  }
0x3ea: {  	s1 =	rddreg [dreg:$0x1];
	p0 =	sne.s32 s2, $0x0  }
0x3eb: {  	s3 =	rddreg [dreg:$0x2];
	[bflag:$0x3] =	sbarrier.arrive $0xFFFF;
	s2 =	simm.s32 @!p0 $0x1C07  }
0x3ec: {  	[timem:s3], [sflag:s2] =	dma.local @!p0 [hbm:s0], s1  }
0x3ed: {  	s0 =	simm.s32 @!p0 $0x7  }
0x3ee: {  	_ =	swait.ge @!p0 [sflag:s0], s1  }
0x3ef: {  	s1 =	ssub.s32 @!p0 $0x0, s1;
	[sflag:s0] =	ssyncset.done @!p0 $0x0  }
0x3f0: {  	[sflag:s0] =	ssyncadd.s32 @!p0 s1  }
0x3f1: {  	[bflag:$0x3] =	sbarrier.arrive $0xFFFF  }
0x3f2: {  	_ =	shalt  }

</sc_bundles>
